<compile_context>
chip_gen: v7x
topology: tpu7x:2x2x1
jax: 0.10.2.dev20260603
libtpu: 0.0.44.dev20260713+nightly
codegen_flags: <defaults>
</compile_context>

<pallas_src>
import jax
import jax.numpy as jnp
from jax import lax
from jax.experimental import pallas as pl
from jax.experimental.pallas import tpu as pltpu
from jax.experimental.pallas import tpu_sc as plsc

LANES = 16
NUM_WORKERS = 32
SEQ = 512
SEQS_PER_WORKER = 4
CHUNK = 16
NCHUNK = (SEQS_PER_WORKER * SEQ) // CHUNK
CHUNKS_PER_SEQ = SEQ // CHUNK
D = 1024


def _sc_pool_body(emb_hbm, ids_hbm, out_hbm,
                  idx_v, buf0, buf1, buf2, buf3, acc, sem0, sem1, sem2, sem3):
    wid = lax.axis_index("s") * 2 + lax.axis_index("c")
    base = wid * (SEQS_PER_WORKER * SEQ)
    pltpu.sync_copy(ids_hbm.at[pl.ds(base, SEQS_PER_WORKER * SEQ)], idx_v)

    def gather_start(chunk, buf, sem):
        idx_sl = idx_v.at[pl.ds(chunk * CHUNK, CHUNK)]
        pltpu.make_async_copy(emb_hbm.at[idx_sl], buf, sem).start()

    def gather_wait(chunk, buf, sem):
        idx_sl = idx_v.at[pl.ds(chunk * CHUNK, CHUNK)]
        pltpu.make_async_copy(emb_hbm.at[idx_sl], buf, sem).wait()

    def accum(buf):
        @plsc.parallel_loop(0, D // LANES, unroll=1)
        def _(g):
            sl = pl.ds(g * LANES, LANES)
            vals = [buf[r, sl] for r in range(CHUNK)]
            while len(vals) > 1:
                vals = [a + b for a, b in zip(vals[::2], vals[1::2])]
            plsc.addupdate(acc.at[0, sl], vals[0])

    def zero_acc():
        @pl.loop(0, D // LANES)
        def _(g):
            sl = pl.ds(g * LANES, LANES)
            acc[0, sl] = jnp.zeros((LANES,), jnp.float32)

    zero_acc()

    ring = ((buf0, sem0), (buf1, sem1), (buf2, sem2), (buf3, sem3))
    for k, (buf, sem) in enumerate(ring):
        gather_start(k, buf, sem)

    @pl.loop(0, NCHUNK, step=len(ring))
    def _(c):
        for k, (buf, sem) in enumerate(ring):
            gather_wait(c + k, buf, sem)
            accum(buf)

            @pl.when(c + k + len(ring) < NCHUNK)
            def _():
                gather_start(c + k + len(ring), buf, sem)

            @pl.when((c + k) % CHUNKS_PER_SEQ == CHUNKS_PER_SEQ - 1)
            def _():
                row = wid * SEQS_PER_WORKER + (c + k) // CHUNKS_PER_SEQ
                pltpu.sync_copy(acc, out_hbm.at[pl.ds(row, 1)])
                zero_acc()


def _sc_pool(emb, ids_flat):
    n_rows = ids_flat.shape[0] // SEQ
    run = pl.kernel(
        _sc_pool_body,
        out_type=jax.ShapeDtypeStruct((n_rows, D), jnp.float32),
        mesh=plsc.VectorSubcoreMesh(core_axis_name="c", subcore_axis_name="s"),
        scratch_types=[
            pltpu.VMEM((SEQS_PER_WORKER * SEQ,), jnp.int32),
            pltpu.VMEM((CHUNK, D), jnp.float32),
            pltpu.VMEM((CHUNK, D), jnp.float32),
            pltpu.VMEM((CHUNK, D), jnp.float32),
            pltpu.VMEM((CHUNK, D), jnp.float32),
            pltpu.VMEM((1, D), jnp.float32),
            pltpu.SemaphoreType.DMA,
            pltpu.SemaphoreType.DMA,
            pltpu.SemaphoreType.DMA,
            pltpu.SemaphoreType.DMA,
        ],
    )
    return run(emb, ids_flat)


def _mlp_body(x_ref, w1_ref, b1_ref, w2_ref, b2_ref, o_ref):
    x = x_ref[...] * (1.0 / SEQ)
    h = jnp.dot(x, w1_ref[...], preferred_element_type=jnp.float32) + b1_ref[...]
    h = jnp.maximum(h, 0.0)
    o_ref[...] = jnp.dot(h, w2_ref[...], preferred_element_type=jnp.float32) + b2_ref[...]


def _mlp(pooled, W1, b1, W2, b2):
    n = pooled.shape[0]
    return pl.pallas_call(
        _mlp_body,
        out_shape=jax.ShapeDtypeStruct((n, 1), jnp.float32),
    )(pooled, W1, b1.reshape(1, -1), W2, b2.reshape(1, 1))


def kernel(input_ids, emb, W1, b1, W2, b2):
    batch, choices, seq = input_ids.shape
    ids_flat = input_ids.reshape(batch * choices * seq).astype(jnp.int32)
    pooled = _sc_pool(emb, ids_flat)
    logits = _mlp(pooled, W1, b1, W2, b2)
    return logits.reshape(batch, choices)

# --- scband reference (transcript-rebuilt; emitter-appended) ---
"""Pipeline reference for scband-my-model-61933428412438 (READ-ONLY COPY).

The authoritative reference and input builder live on the scoring server;
editing this copy changes nothing except your own understanding.
"""

import jax, jax.numpy as jnp
import numpy as np

VOCAB = 50265
D = 1024

def setup_inputs(seed: int = 0) -> dict:
    key = jax.random.key(seed)
    k_ids, k_emb, k_w1, k_b1, k_w2, k_b2 = jax.random.split(key, 6)
    input_ids = jax.random.randint(k_ids, (32, 4, 512), 0, VOCAB)
    emb = jax.random.normal(k_emb, (VOCAB, D), dtype=jnp.float32) * 0.02
    W1 = jax.random.normal(k_w1, (D, D), dtype=jnp.float32) * (1.0 / np.sqrt(D))
    b1 = jnp.zeros((D,), dtype=jnp.float32)
    W2 = jax.random.normal(k_w2, (D, 1), dtype=jnp.float32) * (1.0 / np.sqrt(D))
    b2 = jnp.zeros((1,), dtype=jnp.float32)
    return {"input_ids": input_ids, "emb": emb, "W1": W1, "b1": b1, "W2": W2, "b2": b2}

def reference(input_ids, emb, W1, b1, W2, b2):
    batch_size, num_choices, seq_len = input_ids.shape
    ids = input_ids.reshape(batch_size * num_choices, seq_len)
    x = jnp.take(emb, ids, axis=0)            # [B*C, S, D] gather
    x = jnp.mean(x, axis=1)                   # [B*C, D]
    x = jnp.dot(x, W1) + b1                   # encoder linear
    x = jax.nn.relu(x)                        # ReLU (dropout is identity in eval)
    logits = jnp.dot(x, W2) + b2              # classifier [B*C, 1]
    return logits.reshape(batch_size, num_choices)

if __name__ == "__main__":
    import jax
    _d = setup_inputs()
    print(jax.jit(kernel)(*tuple(_d.values())))

</pallas_src>

<mosaic_0001>
#map = affine_map<(d0, d1) -> (0, 0)>
#map1 = affine_map<(d0, d1) -> (0)>
module attributes {stable_mosaic.version = 14 : i64} {
  func.func @_sc_pool_body(%arg0: i32, %arg1: i32, %arg2: memref<50265x1024xf32, #tpu.memory_space<hbm>>, %arg3: memref<65536xi32, #tpu.memory_space<hbm>>, %arg4: memref<128x1024xf32, #tpu.memory_space<hbm>>, %arg5: memref<2048xi32, #tpu.memory_space<vmem>>, %arg6: memref<16x1024xf32, #tpu.memory_space<vmem>>, %arg7: memref<16x1024xf32, #tpu.memory_space<vmem>>, %arg8: memref<16x1024xf32, #tpu.memory_space<vmem>>, %arg9: memref<16x1024xf32, #tpu.memory_space<vmem>>, %arg10: memref<1x1024xf32, #tpu.memory_space<vmem>>, %arg11: memref<!tpu.dma_semaphore, #tpu.memory_space<semaphore_mem>>, %arg12: memref<!tpu.dma_semaphore, #tpu.memory_space<semaphore_mem>>, %arg13: memref<!tpu.dma_semaphore, #tpu.memory_space<semaphore_mem>>, %arg14: memref<!tpu.dma_semaphore, #tpu.memory_space<semaphore_mem>>) attributes {dimension_semantics = [#tpu.dimension_semantics<core_parallel>, #tpu.dimension_semantics<subcore_parallel>], iteration_bounds = array<i64: 2, 16>, scalar_prefetch = 0 : i64, scratch_operands = 10 : i64, tpu.core_type = #tpu.core_type<sc_vector_subcore>, window_params = [{transform_indices = #map}, {transform_indices = #map1}, {transform_indices = #map}]} {
    %mul3A = arith.constant 2 : i32
    %mul3A_0 = arith.muli %arg1, %mul3A : i32
    %add3A = arith.addi %mul3A_0, %arg0 : i32
    %mul3A_1 = arith.constant 2048 : i32
    %mul3A_2 = arith.muli %add3A, %mul3A_1 : i32
    "tpu.region"() ({
      %run_scoped3A = tpu.sem_alloc : memref<!tpu.dma_semaphore, #tpu.memory_space<semaphore_mem>>
      %dma_start3A_31 = tpu.memref_slice %arg3[%mul3A_2] : memref<65536xi32, #tpu.memory_space<hbm>> -> memref<2048xi32, #tpu.memory_space<hbm>>
      %dma_start3A_32 = tpu.memref_slice %arg3[%mul3A_2] : memref<65536xi32, #tpu.memory_space<hbm>> -> memref<2048xi32, #tpu.memory_space<hbm>>
      tpu.enqueue_dma source(%dma_start3A_32 : memref<2048xi32, #tpu.memory_space<hbm>>) target(%arg5 : memref<2048xi32, #tpu.memory_space<vmem>>) target_semaphore(%run_scoped3A : memref<!tpu.dma_semaphore, #tpu.memory_space<semaphore_mem>>)
      %dma_wait3A = tpu.memref_slice %arg3[%mul3A_2] : memref<65536xi32, #tpu.memory_space<hbm>> -> memref<2048xi32, #tpu.memory_space<hbm>>
      %dma_wait3A_33 = tpu.memref_slice %arg3[%mul3A_2] : memref<65536xi32, #tpu.memory_space<hbm>> -> memref<2048xi32, #tpu.memory_space<hbm>>
      tpu.wait_dma2 semaphore(%run_scoped3A : memref<!tpu.dma_semaphore, #tpu.memory_space<semaphore_mem>>) src(%dma_wait3A_33 : memref<2048xi32, #tpu.memory_space<hbm>>) dst(%arg5 : memref<2048xi32, #tpu.memory_space<vmem>>)
      tpu.yield
    }) : () -> ()
    %scan3A = arith.constant 0 : i32
    %scan3A_3 = arith.constant 64 : i32
    %scan3A_4 = arith.addi %scan3A, %scan3A_3 : i32
    %scan3A_5 = arith.constant 1 : i32
    scf.for %scan3A_31 = %scan3A to %scan3A_4 step %scan3A_5  : i32 {
      %mul3A_32 = arith.constant 1 : i32
      %mul3A_33 = arith.muli %scan3A_31, %mul3A_32 : i32
      %add3A_34 = arith.constant 0 : i32
      %add3A_35 = arith.addi %add3A_34, %mul3A_33 : i32
      %mul3A_36 = arith.constant 16 : i32
      %mul3A_37 = arith.muli %add3A_35, %mul3A_36 : i32
      %broadcast_in_dim3A = arith.constant 0.000000e+00 : f32
      %broadcast_in_dim3A_38 = vector.broadcast %broadcast_in_dim3A : f32 to vector<16xf32>
      %swap3A = arith.constant 0 : i32
      %swap3A_39 = arith.index_cast %swap3A : i32 to index
      %swap3A_40 = arith.index_cast %mul3A_37 : i32 to index
      %swap3A_41 = tpu.vector_load %arg10[%swap3A_39, %swap3A_40] {strides = array<i32>} : memref<1x1024xf32, #tpu.memory_space<vmem>>, vector<1x16xf32>,
      %swap3A_42 = vector.shape_cast %swap3A_41 : vector<1x16xf32> to vector<16xf32>
      %swap3A_43 = vector.shape_cast %broadcast_in_dim3A_38 : vector<16xf32> to vector<1x16xf32>
      tpu.vector_store %arg10[%swap3A_39, %swap3A_40], %swap3A_43 {strides = array<i32>} : memref<1x1024xf32, #tpu.memory_space<vmem>>, vector<1x16xf32>,
    }
    %scan3A_6 = arith.constant 64 : i32
    %dma_start3A = arith.constant 0 : i32
    %dma_start3A_7 = tpu.memref_slice %arg5[%dma_start3A] : memref<2048xi32, #tpu.memory_space<vmem>> -> memref<16xi32, #tpu.memory_space<vmem>>
    %dma_start3A_8 = arith.constant 0 : i32
    %dma_start3A_9 = arith.constant 0 : i32
    %dma_start3A_10 = tpu.memref_slice %arg2[%dma_start3A_8, %dma_start3A_9] : memref<50265x1024xf32, #tpu.memory_space<hbm>> -> memref<50265x1024xf32, #tpu.memory_space<hbm>>
    tpu.enqueue_indirect_dma source(%dma_start3A_10 : memref<50265x1024xf32, #tpu.memory_space<hbm>>) target(%arg6 : memref<16x1024xf32, #tpu.memory_space<vmem>>) offsets(%dma_start3A_7 : memref<16xi32, #tpu.memory_space<vmem>>) semaphore(%arg11 : memref<!tpu.dma_semaphore, #tpu.memory_space<semaphore_mem>>)
    %dma_start3A_11 = arith.constant 16 : i32
    %dma_start3A_12 = tpu.memref_slice %arg5[%dma_start3A_11] : memref<2048xi32, #tpu.memory_space<vmem>> -> memref<16xi32, #tpu.memory_space<vmem>>
    %dma_start3A_13 = arith.constant 0 : i32
    %dma_start3A_14 = arith.constant 0 : i32
    %dma_start3A_15 = tpu.memref_slice %arg2[%dma_start3A_13, %dma_start3A_14] : memref<50265x1024xf32, #tpu.memory_space<hbm>> -> memref<50265x1024xf32, #tpu.memory_space<hbm>>
    tpu.enqueue_indirect_dma source(%dma_start3A_15 : memref<50265x1024xf32, #tpu.memory_space<hbm>>) target(%arg7 : memref<16x1024xf32, #tpu.memory_space<vmem>>) offsets(%dma_start3A_12 : memref<16xi32, #tpu.memory_space<vmem>>) semaphore(%arg12 : memref<!tpu.dma_semaphore, #tpu.memory_space<semaphore_mem>>)
    %dma_start3A_16 = arith.constant 32 : i32
    %dma_start3A_17 = tpu.memref_slice %arg5[%dma_start3A_16] : memref<2048xi32, #tpu.memory_space<vmem>> -> memref<16xi32, #tpu.memory_space<vmem>>
    %dma_start3A_18 = arith.constant 0 : i32
    %dma_start3A_19 = arith.constant 0 : i32
    %dma_start3A_20 = tpu.memref_slice %arg2[%dma_start3A_18, %dma_start3A_19] : memref<50265x1024xf32, #tpu.memory_space<hbm>> -> memref<50265x1024xf32, #tpu.memory_space<hbm>>
    tpu.enqueue_indirect_dma source(%dma_start3A_20 : memref<50265x1024xf32, #tpu.memory_space<hbm>>) target(%arg8 : memref<16x1024xf32, #tpu.memory_space<vmem>>) offsets(%dma_start3A_17 : memref<16xi32, #tpu.memory_space<vmem>>) semaphore(%arg13 : memref<!tpu.dma_semaphore, #tpu.memory_space<semaphore_mem>>)
    %dma_start3A_21 = arith.constant 48 : i32
    %dma_start3A_22 = tpu.memref_slice %arg5[%dma_start3A_21] : memref<2048xi32, #tpu.memory_space<vmem>> -> memref<16xi32, #tpu.memory_space<vmem>>
    %dma_start3A_23 = arith.constant 0 : i32
    %dma_start3A_24 = arith.constant 0 : i32
    %dma_start3A_25 = tpu.memref_slice %arg2[%dma_start3A_23, %dma_start3A_24] : memref<50265x1024xf32, #tpu.memory_space<hbm>> -> memref<50265x1024xf32, #tpu.memory_space<hbm>>
    tpu.enqueue_indirect_dma source(%dma_start3A_25 : memref<50265x1024xf32, #tpu.memory_space<hbm>>) target(%arg9 : memref<16x1024xf32, #tpu.memory_space<vmem>>) offsets(%dma_start3A_22 : memref<16xi32, #tpu.memory_space<vmem>>) semaphore(%arg14 : memref<!tpu.dma_semaphore, #tpu.memory_space<semaphore_mem>>)
    %scan3A_26 = arith.constant 0 : i32
    %scan3A_27 = arith.constant 32 : i32
    %scan3A_28 = arith.addi %scan3A_26, %scan3A_27 : i32
    %scan3A_29 = arith.constant 1 : i32
    scf.for %scan3A_31 = %scan3A_26 to %scan3A_28 step %scan3A_29  : i32 {
      %mul3A_32 = arith.constant 4 : i32
      %mul3A_33 = arith.muli %scan3A_31, %mul3A_32 : i32
      %add3A_34 = arith.constant 0 : i32
      %add3A_35 = arith.addi %add3A_34, %mul3A_33 : i32
      %add3A_36 = arith.constant 0 : i32
      %add3A_37 = arith.addi %add3A_35, %add3A_36 : i32
      %mul3A_38 = arith.constant 16 : i32
      %mul3A_39 = arith.muli %add3A_37, %mul3A_38 : i32
      %dma_wait3A = tpu.memref_slice %arg5[%mul3A_39] : memref<2048xi32, #tpu.memory_space<vmem>> -> memref<16xi32, #tpu.memory_space<vmem>>
      %dma_wait3A_40 = arith.constant 0 : i32
      %dma_wait3A_41 = arith.constant 0 : i32
      %dma_wait3A_42 = tpu.memref_slice %arg2[%dma_wait3A_40, %dma_wait3A_41] : memref<50265x1024xf32, #tpu.memory_space<hbm>> -> memref<50265x1024xf32, #tpu.memory_space<hbm>>
      tpu.wait_indirect_dma semaphore(%arg11 : memref<!tpu.dma_semaphore, #tpu.memory_space<semaphore_mem>>) src(%dma_wait3A_42 : memref<50265x1024xf32, #tpu.memory_space<hbm>>) dst(%arg6 : memref<16x1024xf32, #tpu.memory_space<vmem>>)
      %parallel_loop3A = arith.constant 0 : i32
      %parallel_loop3A_43 = arith.constant 64 : i32
      %parallel_loop3A_44 = arith.constant 1 : i32
      scf.for %parallel_loop3A_197 = %parallel_loop3A to %parallel_loop3A_43 step %parallel_loop3A_44  : i32 {
        %parallel_loop3A_198 = arith.constant 16 : i32
        %parallel_loop3A_199 = arith.muli %parallel_loop3A_197, %parallel_loop3A_198 : i32
        %parallel_loop3A_200 = arith.constant 0 : i32
        %parallel_loop3A_201 = arith.index_cast %parallel_loop3A_200 : i32 to index
        %parallel_loop3A_202 = arith.index_cast %parallel_loop3A_199 : i32 to index
        %parallel_loop3A_203 = tpu.vector_load %arg6[%parallel_loop3A_201, %parallel_loop3A_202] {strides = array<i32>} : memref<16x1024xf32, #tpu.memory_space<vmem>>, vector<1x16xf32>,
        %parallel_loop3A_204 = vector.shape_cast %parallel_loop3A_203 : vector<1x16xf32> to vector<16xf32>
        %parallel_loop3A_205 = arith.constant 1 : i32
        %parallel_loop3A_206 = arith.index_cast %parallel_loop3A_205 : i32 to index
        %parallel_loop3A_207 = arith.index_cast %parallel_loop3A_199 : i32 to index
        %parallel_loop3A_208 = tpu.vector_load %arg6[%parallel_loop3A_206, %parallel_loop3A_207] {strides = array<i32>} : memref<16x1024xf32, #tpu.memory_space<vmem>>, vector<1x16xf32>,
        %parallel_loop3A_209 = vector.shape_cast %parallel_loop3A_208 : vector<1x16xf32> to vector<16xf32>
        %parallel_loop3A_210 = arith.constant 2 : i32
        %parallel_loop3A_211 = arith.index_cast %parallel_loop3A_210 : i32 to index
        %parallel_loop3A_212 = arith.index_cast %parallel_loop3A_199 : i32 to index
        %parallel_loop3A_213 = tpu.vector_load %arg6[%parallel_loop3A_211, %parallel_loop3A_212] {strides = array<i32>} : memref<16x1024xf32, #tpu.memory_space<vmem>>, vector<1x16xf32>,
        %parallel_loop3A_214 = vector.shape_cast %parallel_loop3A_213 : vector<1x16xf32> to vector<16xf32>
        %parallel_loop3A_215 = arith.constant 3 : i32
        %parallel_loop3A_216 = arith.index_cast %parallel_loop3A_215 : i32 to index
        %parallel_loop3A_217 = arith.index_cast %parallel_loop3A_199 : i32 to index
        %parallel_loop3A_218 = tpu.vector_load %arg6[%parallel_loop3A_216, %parallel_loop3A_217] {strides = array<i32>} : memref<16x1024xf32, #tpu.memory_space<vmem>>, vector<1x16xf32>,
        %parallel_loop3A_219 = vector.shape_cast %parallel_loop3A_218 : vector<1x16xf32> to vector<16xf32>
        %parallel_loop3A_220 = arith.constant 4 : i32
        %parallel_loop3A_221 = arith.index_cast %parallel_loop3A_220 : i32 to index
        %parallel_loop3A_222 = arith.index_cast %parallel_loop3A_199 : i32 to index
        %parallel_loop3A_223 = tpu.vector_load %arg6[%parallel_loop3A_221, %parallel_loop3A_222] {strides = array<i32>} : memref<16x1024xf32, #tpu.memory_space<vmem>>, vector<1x16xf32>,
        %parallel_loop3A_224 = vector.shape_cast %parallel_loop3A_223 : vector<1x16xf32> to vector<16xf32>
        %parallel_loop3A_225 = arith.constant 5 : i32
        %parallel_loop3A_226 = arith.index_cast %parallel_loop3A_225 : i32 to index
        %parallel_loop3A_227 = arith.index_cast %parallel_loop3A_199 : i32 to index
        %parallel_loop3A_228 = tpu.vector_load %arg6[%parallel_loop3A_226, %parallel_loop3A_227] {strides = array<i32>} : memref<16x1024xf32, #tpu.memory_space<vmem>>, vector<1x16xf32>,
        %parallel_loop3A_229 = vector.shape_cast %parallel_loop3A_228 : vector<1x16xf32> to vector<16xf32>
        %parallel_loop3A_230 = arith.constant 6 : i32
        %parallel_loop3A_231 = arith.index_cast %parallel_loop3A_230 : i32 to index
        %parallel_loop3A_232 = arith.index_cast %parallel_loop3A_199 : i32 to index
        %parallel_loop3A_233 = tpu.vector_load %arg6[%parallel_loop3A_231, %parallel_loop3A_232] {strides = array<i32>} : memref<16x1024xf32, #tpu.memory_space<vmem>>, vector<1x16xf32>,
        %parallel_loop3A_234 = vector.shape_cast %parallel_loop3A_233 : vector<1x16xf32> to vector<16xf32>
        %parallel_loop3A_235 = arith.constant 7 : i32
        %parallel_loop3A_236 = arith.index_cast %parallel_loop3A_235 : i32 to index
        %parallel_loop3A_237 = arith.index_cast %parallel_loop3A_199 : i32 to index
        %parallel_loop3A_238 = tpu.vector_load %arg6[%parallel_loop3A_236, %parallel_loop3A_237] {strides = array<i32>} : memref<16x1024xf32, #tpu.memory_space<vmem>>, vector<1x16xf32>,
        %parallel_loop3A_239 = vector.shape_cast %parallel_loop3A_238 : vector<1x16xf32> to vector<16xf32>
        %parallel_loop3A_240 = arith.constant 8 : i32
        %parallel_loop3A_241 = arith.index_cast %parallel_loop3A_240 : i32 to index
        %parallel_loop3A_242 = arith.index_cast %parallel_loop3A_199 : i32 to index
        %parallel_loop3A_243 = tpu.vector_load %arg6[%parallel_loop3A_241, %parallel_loop3A_242] {strides = array<i32>} : memref<16x1024xf32, #tpu.memory_space<vmem>>, vector<1x16xf32>,
        %parallel_loop3A_244 = vector.shape_cast %parallel_loop3A_243 : vector<1x16xf32> to vector<16xf32>
        %parallel_loop3A_245 = arith.constant 9 : i32
        %parallel_loop3A_246 = arith.index_cast %parallel_loop3A_245 : i32 to index
        %parallel_loop3A_247 = arith.index_cast %parallel_loop3A_199 : i32 to index
        %parallel_loop3A_248 = tpu.vector_load %arg6[%parallel_loop3A_246, %parallel_loop3A_247] {strides = array<i32>} : memref<16x1024xf32, #tpu.memory_space<vmem>>, vector<1x16xf32>,
        %parallel_loop3A_249 = vector.shape_cast %parallel_loop3A_248 : vector<1x16xf32> to vector<16xf32>
        %parallel_loop3A_250 = arith.constant 10 : i32
        %parallel_loop3A_251 = arith.index_cast %parallel_loop3A_250 : i32 to index
        %parallel_loop3A_252 = arith.index_cast %parallel_loop3A_199 : i32 to index
        %parallel_loop3A_253 = tpu.vector_load %arg6[%parallel_loop3A_251, %parallel_loop3A_252] {strides = array<i32>} : memref<16x1024xf32, #tpu.memory_space<vmem>>, vector<1x16xf32>,
        %parallel_loop3A_254 = vector.shape_cast %parallel_loop3A_253 : vector<1x16xf32> to vector<16xf32>
        %parallel_loop3A_255 = arith.constant 11 : i32
        %parallel_loop3A_256 = arith.index_cast %parallel_loop3A_255 : i32 to index
        %parallel_loop3A_257 = arith.index_cast %parallel_loop3A_199 : i32 to index
        %parallel_loop3A_258 = tpu.vector_load %arg6[%parallel_loop3A_256, %parallel_loop3A_257] {strides = array<i32>} : memref<16x1024xf32, #tpu.memory_space<vmem>>, vector<1x16xf32>,
        %parallel_loop3A_259 = vector.shape_cast %parallel_loop3A_258 : vector<1x16xf32> to vector<16xf32>
        %parallel_loop3A_260 = arith.constant 12 : i32
        %parallel_loop3A_261 = arith.index_cast %parallel_loop3A_260 : i32 to index
        %parallel_loop3A_262 = arith.index_cast %parallel_loop3A_199 : i32 to index
        %parallel_loop3A_263 = tpu.vector_load %arg6[%parallel_loop3A_261, %parallel_loop3A_262] {strides = array<i32>} : memref<16x1024xf32, #tpu.memory_space<vmem>>, vector<1x16xf32>,
        %parallel_loop3A_264 = vector.shape_cast %parallel_loop3A_263 : vector<1x16xf32> to vector<16xf32>
        %parallel_loop3A_265 = arith.constant 13 : i32
        %parallel_loop3A_266 = arith.index_cast %parallel_loop3A_265 : i32 to index
        %parallel_loop3A_267 = arith.index_cast %parallel_loop3A_199 : i32 to index
        %parallel_loop3A_268 = tpu.vector_load %arg6[%parallel_loop3A_266, %parallel_loop3A_267] {strides = array<i32>} : memref<16x1024xf32, #tpu.memory_space<vmem>>, vector<1x16xf32>,
        %parallel_loop3A_269 = vector.shape_cast %parallel_loop3A_268 : vector<1x16xf32> to vector<16xf32>
        %parallel_loop3A_270 = arith.constant 14 : i32
        %parallel_loop3A_271 = arith.index_cast %parallel_loop3A_270 : i32 to index
        %parallel_loop3A_272 = arith.index_cast %parallel_loop3A_199 : i32 to index
        %parallel_loop3A_273 = tpu.vector_load %arg6[%parallel_loop3A_271, %parallel_loop3A_272] {strides = array<i32>} : memref<16x1024xf32, #tpu.memory_space<vmem>>, vector<1x16xf32>,
        %parallel_loop3A_274 = vector.shape_cast %parallel_loop3A_273 : vector<1x16xf32> to vector<16xf32>
        %parallel_loop3A_275 = arith.constant 15 : i32
        %parallel_loop3A_276 = arith.index_cast %parallel_loop3A_275 : i32 to index
        %parallel_loop3A_277 = arith.index_cast %parallel_loop3A_199 : i32 to index
        %parallel_loop3A_278 = tpu.vector_load %arg6[%parallel_loop3A_276, %parallel_loop3A_277] {strides = array<i32>} : memref<16x1024xf32, #tpu.memory_space<vmem>>, vector<1x16xf32>,
        %parallel_loop3A_279 = vector.shape_cast %parallel_loop3A_278 : vector<1x16xf32> to vector<16xf32>
        %parallel_loop3A_280 = arith.addf %parallel_loop3A_204, %parallel_loop3A_209 : vector<16xf32>
        %parallel_loop3A_281 = arith.addf %parallel_loop3A_214, %parallel_loop3A_219 : vector<16xf32>
        %parallel_loop3A_282 = arith.addf %parallel_loop3A_224, %parallel_loop3A_229 : vector<16xf32>
        %parallel_loop3A_283 = arith.addf %parallel_loop3A_234, %parallel_loop3A_239 : vector<16xf32>
        %parallel_loop3A_284 = arith.addf %parallel_loop3A_244, %parallel_loop3A_249 : vector<16xf32>
        %parallel_loop3A_285 = arith.addf %parallel_loop3A_254, %parallel_loop3A_259 : vector<16xf32>
        %parallel_loop3A_286 = arith.addf %parallel_loop3A_264, %parallel_loop3A_269 : vector<16xf32>
        %parallel_loop3A_287 = arith.addf %parallel_loop3A_274, %parallel_loop3A_279 : vector<16xf32>
        %parallel_loop3A_288 = arith.addf %parallel_loop3A_280, %parallel_loop3A_281 : vector<16xf32>
        %parallel_loop3A_289 = arith.addf %parallel_loop3A_282, %parallel_loop3A_283 : vector<16xf32>
        %parallel_loop3A_290 = arith.addf %parallel_loop3A_284, %parallel_loop3A_285 : vector<16xf32>
        %parallel_loop3A_291 = arith.addf %parallel_loop3A_286, %parallel_loop3A_287 : vector<16xf32>
        %parallel_loop3A_292 = arith.addf %parallel_loop3A_288, %parallel_loop3A_289 : vector<16xf32>
        %parallel_loop3A_293 = arith.addf %parallel_loop3A_290, %parallel_loop3A_291 : vector<16xf32>
        %parallel_loop3A_294 = arith.addf %parallel_loop3A_292, %parallel_loop3A_293 : vector<16xf32>
        %parallel_loop3A_295 = arith.constant 0 : i32
        %parallel_loop3A_296 = arith.index_cast %parallel_loop3A_295 : i32 to index
        %parallel_loop3A_297 = arith.index_cast %parallel_loop3A_199 : i32 to index
        %parallel_loop3A_298 = tpu.vector_load %arg10[%parallel_loop3A_296, %parallel_loop3A_297] {strides = array<i32>} : memref<1x1024xf32, #tpu.memory_space<vmem>>, vector<1x16xf32>,
        %parallel_loop3A_299 = vector.shape_cast %parallel_loop3A_298 : vector<1x16xf32> to vector<16xf32>
        %parallel_loop3A_300 = vector.shape_cast %parallel_loop3A_294 : vector<16xf32> to vector<1x16xf32>
        tpu.vector_store %arg10[%parallel_loop3A_296, %parallel_loop3A_297], %parallel_loop3A_300 {add = true, strides = array<i32>} : memref<1x1024xf32, #tpu.memory_space<vmem>>, vector<1x16xf32>,
      } {sc.loop_unroll_factor = 1 : i64, sc.parallel_access}
      %add3A_45 = arith.constant 0 : i32
      %add3A_46 = arith.addi %add3A_35, %add3A_45 : i32
      %add3A_47 = arith.constant 4 : i32
      %add3A_48 = arith.addi %add3A_46, %add3A_47 : i32
      %lt3A = arith.constant 128 : i32
      %lt3A_49 = arith.cmpi slt, %add3A_48, %lt3A : i32
      %convert_element_type3A = arith.extui %lt3A_49 : i1 to i32
      %cond3A = arith.constant 0 : i32
      %cond3A_50 = arith.cmpi ne, %convert_element_type3A, %cond3A : i32
      scf.if %cond3A_50 {
        %add3A_197 = arith.constant 0 : i32
        %add3A_198 = arith.addi %add3A_35, %add3A_197 : i32
        %add3A_199 = arith.constant 4 : i32
        %add3A_200 = arith.addi %add3A_198, %add3A_199 : i32
        %mul3A_201 = arith.constant 16 : i32
        %mul3A_202 = arith.muli %add3A_200, %mul3A_201 : i32
        %dma_start3A_203 = tpu.memref_slice %arg5[%mul3A_202] : memref<2048xi32, #tpu.memory_space<vmem>> -> memref<16xi32, #tpu.memory_space<vmem>>
        %dma_start3A_204 = arith.constant 0 : i32
        %dma_start3A_205 = arith.constant 0 : i32
        %dma_start3A_206 = tpu.memref_slice %arg2[%dma_start3A_204, %dma_start3A_205] : memref<50265x1024xf32, #tpu.memory_space<hbm>> -> memref<50265x1024xf32, #tpu.memory_space<hbm>>
        tpu.enqueue_indirect_dma source(%dma_start3A_206 : memref<50265x1024xf32, #tpu.memory_space<hbm>>) target(%arg6 : memref<16x1024xf32, #tpu.memory_space<vmem>>) offsets(%dma_start3A_203 : memref<16xi32, #tpu.memory_space<vmem>>) semaphore(%arg11 : memref<!tpu.dma_semaphore, #tpu.memory_space<semaphore_mem>>)
      } else {
      }
      %add3A_51 = arith.constant 0 : i32
      %add3A_52 = arith.addi %add3A_35, %add3A_51 : i32
      %jit3A = arith.constant 32 : i32
      %eq3A = arith.constant 0 : i32
      %eq3A_53 = arith.cmpi eq, %jit3A, %eq3A : i32
      %jit3A_54 = arith.constant 1 : i32
      %select_n3A = arith.select %eq3A_53, %jit3A_54, %jit3A : i32
      %rem3A = arith.remsi %add3A_52, %select_n3A : i32
      %ne3A = arith.constant 0 : i32
      %ne3A_55 = arith.cmpi ne, %rem3A, %ne3A : i32
      %lt3A_56 = arith.constant 0 : i32
      %lt3A_57 = arith.cmpi slt, %rem3A, %lt3A_56 : i32
      %lt3A_58 = arith.constant 0 : i32
      %lt3A_59 = arith.cmpi slt, %select_n3A, %lt3A_58 : i32
      %ne3A_60 = arith.xori %lt3A_57, %lt3A_59 : i1
      %and3A = arith.andi %ne3A_60, %ne3A_55 : i1
      %add3A_61 = arith.addi %rem3A, %select_n3A : i32
      %select_n3A_62 = arith.select %and3A, %add3A_61, %rem3A : i32
      %eq3A_63 = arith.constant 31 : i32
      %eq3A_64 = arith.cmpi eq, %select_n3A_62, %eq3A_63 : i32
      %convert_element_type3A_65 = arith.extui %eq3A_64 : i1 to i32
      %cond3A_66 = arith.constant 0 : i32
      %cond3A_67 = arith.cmpi ne, %convert_element_type3A_65, %cond3A_66 : i32
      scf.if %cond3A_67 {
        %mul3A_197 = arith.constant 4 : i32
        %mul3A_198 = arith.muli %add3A, %mul3A_197 : i32
        %add3A_199 = arith.constant 0 : i32
        %add3A_200 = arith.addi %add3A_35, %add3A_199 : i32
        %jit3A_201 = arith.constant 32 : i32
        %div3A = arith.divsi %add3A_200, %jit3A_201 : i32
        %sign3A = arith.constant 0 : i32
        %sign3A_202 = arith.cmpi sgt, %add3A_200, %sign3A : i32
        %sign3A_203 = arith.extui %sign3A_202 : i1 to i32
        %sign3A_204 = arith.constant 0 : i32
        %sign3A_205 = arith.cmpi slt, %add3A_200, %sign3A_204 : i32
        %sign3A_206 = arith.extui %sign3A_205 : i1 to i32
        %sign3A_207 = arith.subi %sign3A_203, %sign3A_206 : i32
        %sign3A_208 = arith.constant 0 : i32
        %sign3A_209 = arith.cmpi sgt, %jit3A_201, %sign3A_208 : i32
        %sign3A_210 = arith.extui %sign3A_209 : i1 to i32
        %sign3A_211 = arith.constant 0 : i32
        %sign3A_212 = arith.cmpi slt, %jit3A_201, %sign3A_211 : i32
        %sign3A_213 = arith.extui %sign3A_212 : i1 to i32
        %sign3A_214 = arith.subi %sign3A_210, %sign3A_213 : i32
        %ne3A_215 = arith.cmpi ne, %sign3A_207, %sign3A_214 : i32
        %rem3A_216 = arith.remsi %add3A_200, %jit3A_201 : i32
        %ne3A_217 = arith.constant 0 : i32
        %ne3A_218 = arith.cmpi ne, %rem3A_216, %ne3A_217 : i32
        %and3A_219 = arith.andi %ne3A_215, %ne3A_218 : i1
        %sub3A = arith.constant 1 : i32
        %sub3A_220 = arith.subi %div3A, %sub3A : i32
        %select_n3A_221 = arith.select %and3A_219, %sub3A_220, %div3A : i32
        %add3A_222 = arith.addi %mul3A_198, %select_n3A_221 : i32
        "tpu.region"() ({
          %run_scoped3A = tpu.sem_alloc : memref<!tpu.dma_semaphore, #tpu.memory_space<semaphore_mem>>
          %dma_start3A_228 = arith.constant 0 : i32
          %dma_start3A_229 = tpu.memref_slice %arg4[%add3A_222, %dma_start3A_228] : memref<128x1024xf32, #tpu.memory_space<hbm>> -> memref<1x1024xf32, #tpu.memory_space<hbm>>
          %dma_start3A_230 = arith.constant 0 : i32
          %dma_start3A_231 = tpu.memref_slice %arg4[%add3A_222, %dma_start3A_230] : memref<128x1024xf32, #tpu.memory_space<hbm>> -> memref<1x1024xf32, #tpu.memory_space<hbm>>
          tpu.enqueue_dma source(%arg10 : memref<1x1024xf32, #tpu.memory_space<vmem>>) target(%dma_start3A_231 : memref<1x1024xf32, #tpu.memory_space<hbm>>) target_semaphore(%run_scoped3A : memref<!tpu.dma_semaphore, #tpu.memory_space<semaphore_mem>>)
          %dma_wait3A_232 = arith.constant 0 : i32
          %dma_wait3A_233 = tpu.memref_slice %arg4[%add3A_222, %dma_wait3A_232] : memref<128x1024xf32, #tpu.memory_space<hbm>> -> memref<1x1024xf32, #tpu.memory_space<hbm>>
          %dma_wait3A_234 = arith.constant 0 : i32
          %dma_wait3A_235 = tpu.memref_slice %arg4[%add3A_222, %dma_wait3A_234] : memref<128x1024xf32, #tpu.memory_space<hbm>> -> memref<1x1024xf32, #tpu.memory_space<hbm>>
          tpu.wait_dma2 semaphore(%run_scoped3A : memref<!tpu.dma_semaphore, #tpu.memory_space<semaphore_mem>>) src(%arg10 : memref<1x1024xf32, #tpu.memory_space<vmem>>) dst(%dma_wait3A_235 : memref<1x1024xf32, #tpu.memory_space<hbm>>)
          tpu.yield
        }) : () -> ()
        %scan3A_223 = arith.constant 0 : i32
        %scan3A_224 = arith.constant 64 : i32
        %scan3A_225 = arith.addi %scan3A_223, %scan3A_224 : i32
        %scan3A_226 = arith.constant 1 : i32
        scf.for %scan3A_228 = %scan3A_223 to %scan3A_225 step %scan3A_226  : i32 {
          %mul3A_229 = arith.constant 1 : i32
          %mul3A_230 = arith.muli %scan3A_228, %mul3A_229 : i32
          %add3A_231 = arith.constant 0 : i32
          %add3A_232 = arith.addi %add3A_231, %mul3A_230 : i32
          %mul3A_233 = arith.constant 16 : i32
          %mul3A_234 = arith.muli %add3A_232, %mul3A_233 : i32
          %broadcast_in_dim3A = arith.constant 0.000000e+00 : f32
          %broadcast_in_dim3A_235 = vector.broadcast %broadcast_in_dim3A : f32 to vector<16xf32>
          %swap3A = arith.constant 0 : i32
          %swap3A_236 = arith.index_cast %swap3A : i32 to index
          %swap3A_237 = arith.index_cast %mul3A_234 : i32 to index
          %swap3A_238 = tpu.vector_load %arg10[%swap3A_236, %swap3A_237] {strides = array<i32>} : memref<1x1024xf32, #tpu.memory_space<vmem>>, vector<1x16xf32>,
          %swap3A_239 = vector.shape_cast %swap3A_238 : vector<1x16xf32> to vector<16xf32>
          %swap3A_240 = vector.shape_cast %broadcast_in_dim3A_235 : vector<16xf32> to vector<1x16xf32>
          tpu.vector_store %arg10[%swap3A_236, %swap3A_237], %swap3A_240 {strides = array<i32>} : memref<1x1024xf32, #tpu.memory_space<vmem>>, vector<1x16xf32>,
        }
        %scan3A_227 = arith.constant 64 : i32
      } else {
      }
      %add3A_68 = arith.constant 1 : i32
      %add3A_69 = arith.addi %add3A_35, %add3A_68 : i32
      %mul3A_70 = arith.constant 16 : i32
      %mul3A_71 = arith.muli %add3A_69, %mul3A_70 : i32
      %dma_wait3A_72 = tpu.memref_slice %arg5[%mul3A_71] : memref<2048xi32, #tpu.memory_space<vmem>> -> memref<16xi32, #tpu.memory_space<vmem>>
      %dma_wait3A_73 = arith.constant 0 : i32
      %dma_wait3A_74 = arith.constant 0 : i32
      %dma_wait3A_75 = tpu.memref_slice %arg2[%dma_wait3A_73, %dma_wait3A_74] : memref<50265x1024xf32, #tpu.memory_space<hbm>> -> memref<50265x1024xf32, #tpu.memory_space<hbm>>
      tpu.wait_indirect_dma semaphore(%arg12 : memref<!tpu.dma_semaphore, #tpu.memory_space<semaphore_mem>>) src(%dma_wait3A_75 : memref<50265x1024xf32, #tpu.memory_space<hbm>>) dst(%arg7 : memref<16x1024xf32, #tpu.memory_space<vmem>>)
      %parallel_loop3A_76 = arith.constant 0 : i32
      %parallel_loop3A_77 = arith.constant 64 : i32
      %parallel_loop3A_78 = arith.constant 1 : i32
      scf.for %parallel_loop3A_197 = %parallel_loop3A_76 to %parallel_loop3A_77 step %parallel_loop3A_78  : i32 {
        %parallel_loop3A_198 = arith.constant 16 : i32
        %parallel_loop3A_199 = arith.muli %parallel_loop3A_197, %parallel_loop3A_198 : i32
        %parallel_loop3A_200 = arith.constant 0 : i32
        %parallel_loop3A_201 = arith.index_cast %parallel_loop3A_200 : i32 to index
        %parallel_loop3A_202 = arith.index_cast %parallel_loop3A_199 : i32 to index
        %parallel_loop3A_203 = tpu.vector_load %arg7[%parallel_loop3A_201, %parallel_loop3A_202] {strides = array<i32>} : memref<16x1024xf32, #tpu.memory_space<vmem>>, vector<1x16xf32>,
        %parallel_loop3A_204 = vector.shape_cast %parallel_loop3A_203 : vector<1x16xf32> to vector<16xf32>
        %parallel_loop3A_205 = arith.constant 1 : i32
        %parallel_loop3A_206 = arith.index_cast %parallel_loop3A_205 : i32 to index
        %parallel_loop3A_207 = arith.index_cast %parallel_loop3A_199 : i32 to index
        %parallel_loop3A_208 = tpu.vector_load %arg7[%parallel_loop3A_206, %parallel_loop3A_207] {strides = array<i32>} : memref<16x1024xf32, #tpu.memory_space<vmem>>, vector<1x16xf32>,
        %parallel_loop3A_209 = vector.shape_cast %parallel_loop3A_208 : vector<1x16xf32> to vector<16xf32>
        %parallel_loop3A_210 = arith.constant 2 : i32
        %parallel_loop3A_211 = arith.index_cast %parallel_loop3A_210 : i32 to index
        %parallel_loop3A_212 = arith.index_cast %parallel_loop3A_199 : i32 to index
        %parallel_loop3A_213 = tpu.vector_load %arg7[%parallel_loop3A_211, %parallel_loop3A_212] {strides = array<i32>} : memref<16x1024xf32, #tpu.memory_space<vmem>>, vector<1x16xf32>,
        %parallel_loop3A_214 = vector.shape_cast %parallel_loop3A_213 : vector<1x16xf32> to vector<16xf32>
        %parallel_loop3A_215 = arith.constant 3 : i32
        %parallel_loop3A_216 = arith.index_cast %parallel_loop3A_215 : i32 to index
        %parallel_loop3A_217 = arith.index_cast %parallel_loop3A_199 : i32 to index
        %parallel_loop3A_218 = tpu.vector_load %arg7[%parallel_loop3A_216, %parallel_loop3A_217] {strides = array<i32>} : memref<16x1024xf32, #tpu.memory_space<vmem>>, vector<1x16xf32>,
        %parallel_loop3A_219 = vector.shape_cast %parallel_loop3A_218 : vector<1x16xf32> to vector<16xf32>
        %parallel_loop3A_220 = arith.constant 4 : i32
        %parallel_loop3A_221 = arith.index_cast %parallel_loop3A_220 : i32 to index
        %parallel_loop3A_222 = arith.index_cast %parallel_loop3A_199 : i32 to index
        %parallel_loop3A_223 = tpu.vector_load %arg7[%parallel_loop3A_221, %parallel_loop3A_222] {strides = array<i32>} : memref<16x1024xf32, #tpu.memory_space<vmem>>, vector<1x16xf32>,
        %parallel_loop3A_224 = vector.shape_cast %parallel_loop3A_223 : vector<1x16xf32> to vector<16xf32>
        %parallel_loop3A_225 = arith.constant 5 : i32
        %parallel_loop3A_226 = arith.index_cast %parallel_loop3A_225 : i32 to index
        %parallel_loop3A_227 = arith.index_cast %parallel_loop3A_199 : i32 to index
        %parallel_loop3A_228 = tpu.vector_load %arg7[%parallel_loop3A_226, %parallel_loop3A_227] {strides = array<i32>} : memref<16x1024xf32, #tpu.memory_space<vmem>>, vector<1x16xf32>,
        %parallel_loop3A_229 = vector.shape_cast %parallel_loop3A_228 : vector<1x16xf32> to vector<16xf32>
        %parallel_loop3A_230 = arith.constant 6 : i32
        %parallel_loop3A_231 = arith.index_cast %parallel_loop3A_230 : i32 to index
        %parallel_loop3A_232 = arith.index_cast %parallel_loop3A_199 : i32 to index
        %parallel_loop3A_233 = tpu.vector_load %arg7[%parallel_loop3A_231, %parallel_loop3A_232] {strides = array<i32>} : memref<16x1024xf32, #tpu.memory_space<vmem>>, vector<1x16xf32>,
        %parallel_loop3A_234 = vector.shape_cast %parallel_loop3A_233 : vector<1x16xf32> to vector<16xf32>
        %parallel_loop3A_235 = arith.constant 7 : i32
        %parallel_loop3A_236 = arith.index_cast %parallel_loop3A_235 : i32 to index
        %parallel_loop3A_237 = arith.index_cast %parallel_loop3A_199 : i32 to index
        %parallel_loop3A_238 = tpu.vector_load %arg7[%parallel_loop3A_236, %parallel_loop3A_237] {strides = array<i32>} : memref<16x1024xf32, #tpu.memory_space<vmem>>, vector<1x16xf32>,
        %parallel_loop3A_239 = vector.shape_cast %parallel_loop3A_238 : vector<1x16xf32> to vector<16xf32>
        %parallel_loop3A_240 = arith.constant 8 : i32
        %parallel_loop3A_241 = arith.index_cast %parallel_loop3A_240 : i32 to index
        %parallel_loop3A_242 = arith.index_cast %parallel_loop3A_199 : i32 to index
        %parallel_loop3A_243 = tpu.vector_load %arg7[%parallel_loop3A_241, %parallel_loop3A_242] {strides = array<i32>} : memref<16x1024xf32, #tpu.memory_space<vmem>>, vector<1x16xf32>,
        %parallel_loop3A_244 = vector.shape_cast %parallel_loop3A_243 : vector<1x16xf32> to vector<16xf32>
        %parallel_loop3A_245 = arith.constant 9 : i32
        %parallel_loop3A_246 = arith.index_cast %parallel_loop3A_245 : i32 to index
        %parallel_loop3A_247 = arith.index_cast %parallel_loop3A_199 : i32 to index
        %parallel_loop3A_248 = tpu.vector_load %arg7[%parallel_loop3A_246, %parallel_loop3A_247] {strides = array<i32>} : memref<16x1024xf32, #tpu.memory_space<vmem>>, vector<1x16xf32>,
        %parallel_loop3A_249 = vector.shape_cast %parallel_loop3A_248 : vector<1x16xf32> to vector<16xf32>
        %parallel_loop3A_250 = arith.constant 10 : i32
        %parallel_loop3A_251 = arith.index_cast %parallel_loop3A_250 : i32 to index
        %parallel_loop3A_252 = arith.index_cast %parallel_loop3A_199 : i32 to index
        %parallel_loop3A_253 = tpu.vector_load %arg7[%parallel_loop3A_251, %parallel_loop3A_252] {strides = array<i32>} : memref<16x1024xf32, #tpu.memory_space<vmem>>, vector<1x16xf32>,
        %parallel_loop3A_254 = vector.shape_cast %parallel_loop3A_253 : vector<1x16xf32> to vector<16xf32>
        %parallel_loop3A_255 = arith.constant 11 : i32
        %parallel_loop3A_256 = arith.index_cast %parallel_loop3A_255 : i32 to index
        %parallel_loop3A_257 = arith.index_cast %parallel_loop3A_199 : i32 to index
        %parallel_loop3A_258 = tpu.vector_load %arg7[%parallel_loop3A_256, %parallel_loop3A_257] {strides = array<i32>} : memref<16x1024xf32, #tpu.memory_space<vmem>>, vector<1x16xf32>,
        %parallel_loop3A_259 = vector.shape_cast %parallel_loop3A_258 : vector<1x16xf32> to vector<16xf32>
        %parallel_loop3A_260 = arith.constant 12 : i32
        %parallel_loop3A_261 = arith.index_cast %parallel_loop3A_260 : i32 to index
        %parallel_loop3A_262 = arith.index_cast %parallel_loop3A_199 : i32 to index
        %parallel_loop3A_263 = tpu.vector_load %arg7[%parallel_loop3A_261, %parallel_loop3A_262] {strides = array<i32>} : memref<16x1024xf32, #tpu.memory_space<vmem>>, vector<1x16xf32>,
        %parallel_loop3A_264 = vector.shape_cast %parallel_loop3A_263 : vector<1x16xf32> to vector<16xf32>
        %parallel_loop3A_265 = arith.constant 13 : i32
        %parallel_loop3A_266 = arith.index_cast %parallel_loop3A_265 : i32 to index
        %parallel_loop3A_267 = arith.index_cast %parallel_loop3A_199 : i32 to index
        %parallel_loop3A_268 = tpu.vector_load %arg7[%parallel_loop3A_266, %parallel_loop3A_267] {strides = array<i32>} : memref<16x1024xf32, #tpu.memory_space<vmem>>, vector<1x16xf32>,
        %parallel_loop3A_269 = vector.shape_cast %parallel_loop3A_268 : vector<1x16xf32> to vector<16xf32>
        %parallel_loop3A_270 = arith.constant 14 : i32
        %parallel_loop3A_271 = arith.index_cast %parallel_loop3A_270 : i32 to index
        %parallel_loop3A_272 = arith.index_cast %parallel_loop3A_199 : i32 to index
        %parallel_loop3A_273 = tpu.vector_load %arg7[%parallel_loop3A_271, %parallel_loop3A_272] {strides = array<i32>} : memref<16x1024xf32, #tpu.memory_space<vmem>>, vector<1x16xf32>,
        %parallel_loop3A_274 = vector.shape_cast %parallel_loop3A_273 : vector<1x16xf32> to vector<16xf32>
        %parallel_loop3A_275 = arith.constant 15 : i32
        %parallel_loop3A_276 = arith.index_cast %parallel_loop3A_275 : i32 to index
        %parallel_loop3A_277 = arith.index_cast %parallel_loop3A_199 : i32 to index
        %parallel_loop3A_278 = tpu.vector_load %arg7[%parallel_loop3A_276, %parallel_loop3A_277] {strides = array<i32>} : memref<16x1024xf32, #tpu.memory_space<vmem>>, vector<1x16xf32>,
        %parallel_loop3A_279 = vector.shape_cast %parallel_loop3A_278 : vector<1x16xf32> to vector<16xf32>
        %parallel_loop3A_280 = arith.addf %parallel_loop3A_204, %parallel_loop3A_209 : vector<16xf32>
        %parallel_loop3A_281 = arith.addf %parallel_loop3A_214, %parallel_loop3A_219 : vector<16xf32>
        %parallel_loop3A_282 = arith.addf %parallel_loop3A_224, %parallel_loop3A_229 : vector<16xf32>
        %parallel_loop3A_283 = arith.addf %parallel_loop3A_234, %parallel_loop3A_239 : vector<16xf32>
        %parallel_loop3A_284 = arith.addf %parallel_loop3A_244, %parallel_loop3A_249 : vector<16xf32>
        %parallel_loop3A_285 = arith.addf %parallel_loop3A_254, %parallel_loop3A_259 : vector<16xf32>
        %parallel_loop3A_286 = arith.addf %parallel_loop3A_264, %parallel_loop3A_269 : vector<16xf32>
        %parallel_loop3A_287 = arith.addf %parallel_loop3A_274, %parallel_loop3A_279 : vector<16xf32>
        %parallel_loop3A_288 = arith.addf %parallel_loop3A_280, %parallel_loop3A_281 : vector<16xf32>
        %parallel_loop3A_289 = arith.addf %parallel_loop3A_282, %parallel_loop3A_283 : vector<16xf32>
        %parallel_loop3A_290 = arith.addf %parallel_loop3A_284, %parallel_loop3A_285 : vector<16xf32>
        %parallel_loop3A_291 = arith.addf %parallel_loop3A_286, %parallel_loop3A_287 : vector<16xf32>
        %parallel_loop3A_292 = arith.addf %parallel_loop3A_288, %parallel_loop3A_289 : vector<16xf32>
        %parallel_loop3A_293 = arith.addf %parallel_loop3A_290, %parallel_loop3A_291 : vector<16xf32>
        %parallel_loop3A_294 = arith.addf %parallel_loop3A_292, %parallel_loop3A_293 : vector<16xf32>
        %parallel_loop3A_295 = arith.constant 0 : i32
        %parallel_loop3A_296 = arith.index_cast %parallel_loop3A_295 : i32 to index
        %parallel_loop3A_297 = arith.index_cast %parallel_loop3A_199 : i32 to index
        %parallel_loop3A_298 = tpu.vector_load %arg10[%parallel_loop3A_296, %parallel_loop3A_297] {strides = array<i32>} : memref<1x1024xf32, #tpu.memory_space<vmem>>, vector<1x16xf32>,
        %parallel_loop3A_299 = vector.shape_cast %parallel_loop3A_298 : vector<1x16xf32> to vector<16xf32>
        %parallel_loop3A_300 = vector.shape_cast %parallel_loop3A_294 : vector<16xf32> to vector<1x16xf32>
        tpu.vector_store %arg10[%parallel_loop3A_296, %parallel_loop3A_297], %parallel_loop3A_300 {add = true, strides = array<i32>} : memref<1x1024xf32, #tpu.memory_space<vmem>>, vector<1x16xf32>,
      } {sc.loop_unroll_factor = 1 : i64, sc.parallel_access}
      %add3A_79 = arith.constant 1 : i32
      %add3A_80 = arith.addi %add3A_35, %add3A_79 : i32
      %add3A_81 = arith.constant 4 : i32
      %add3A_82 = arith.addi %add3A_80, %add3A_81 : i32
      %lt3A_83 = arith.constant 128 : i32
      %lt3A_84 = arith.cmpi slt, %add3A_82, %lt3A_83 : i32
      %convert_element_type3A_85 = arith.extui %lt3A_84 : i1 to i32
      %cond3A_86 = arith.constant 0 : i32
      %cond3A_87 = arith.cmpi ne, %convert_element_type3A_85, %cond3A_86 : i32
      scf.if %cond3A_87 {
        %add3A_197 = arith.constant 1 : i32
        %add3A_198 = arith.addi %add3A_35, %add3A_197 : i32
        %add3A_199 = arith.constant 4 : i32
        %add3A_200 = arith.addi %add3A_198, %add3A_199 : i32
        %mul3A_201 = arith.constant 16 : i32
        %mul3A_202 = arith.muli %add3A_200, %mul3A_201 : i32
        %dma_start3A_203 = tpu.memref_slice %arg5[%mul3A_202] : memref<2048xi32, #tpu.memory_space<vmem>> -> memref<16xi32, #tpu.memory_space<vmem>>
        %dma_start3A_204 = arith.constant 0 : i32
        %dma_start3A_205 = arith.constant 0 : i32
        %dma_start3A_206 = tpu.memref_slice %arg2[%dma_start3A_204, %dma_start3A_205] : memref<50265x1024xf32, #tpu.memory_space<hbm>> -> memref<50265x1024xf32, #tpu.memory_space<hbm>>
        tpu.enqueue_indirect_dma source(%dma_start3A_206 : memref<50265x1024xf32, #tpu.memory_space<hbm>>) target(%arg7 : memref<16x1024xf32, #tpu.memory_space<vmem>>) offsets(%dma_start3A_203 : memref<16xi32, #tpu.memory_space<vmem>>) semaphore(%arg12 : memref<!tpu.dma_semaphore, #tpu.memory_space<semaphore_mem>>)
      } else {
      }
      %add3A_88 = arith.constant 1 : i32
      %add3A_89 = arith.addi %add3A_35, %add3A_88 : i32
      %jit3A_90 = arith.constant 32 : i32
      %eq3A_91 = arith.constant 0 : i32
      %eq3A_92 = arith.cmpi eq, %jit3A_90, %eq3A_91 : i32
      %jit3A_93 = arith.constant 1 : i32
      %select_n3A_94 = arith.select %eq3A_92, %jit3A_93, %jit3A_90 : i32
      %rem3A_95 = arith.remsi %add3A_89, %select_n3A_94 : i32
      %ne3A_96 = arith.constant 0 : i32
      %ne3A_97 = arith.cmpi ne, %rem3A_95, %ne3A_96 : i32
      %lt3A_98 = arith.constant 0 : i32
      %lt3A_99 = arith.cmpi slt, %rem3A_95, %lt3A_98 : i32
      %lt3A_100 = arith.constant 0 : i32
      %lt3A_101 = arith.cmpi slt, %select_n3A_94, %lt3A_100 : i32
      %ne3A_102 = arith.xori %lt3A_99, %lt3A_101 : i1
      %and3A_103 = arith.andi %ne3A_102, %ne3A_97 : i1
      %add3A_104 = arith.addi %rem3A_95, %select_n3A_94 : i32
      %select_n3A_105 = arith.select %and3A_103, %add3A_104, %rem3A_95 : i32
      %eq3A_106 = arith.constant 31 : i32
      %eq3A_107 = arith.cmpi eq, %select_n3A_105, %eq3A_106 : i32
      %convert_element_type3A_108 = arith.extui %eq3A_107 : i1 to i32
      %cond3A_109 = arith.constant 0 : i32
      %cond3A_110 = arith.cmpi ne, %convert_element_type3A_108, %cond3A_109 : i32
      scf.if %cond3A_110 {
        %mul3A_197 = arith.constant 4 : i32
        %mul3A_198 = arith.muli %add3A, %mul3A_197 : i32
        %add3A_199 = arith.constant 1 : i32
        %add3A_200 = arith.addi %add3A_35, %add3A_199 : i32
        %jit3A_201 = arith.constant 32 : i32
        %div3A = arith.divsi %add3A_200, %jit3A_201 : i32
        %sign3A = arith.constant 0 : i32
        %sign3A_202 = arith.cmpi sgt, %add3A_200, %sign3A : i32
        %sign3A_203 = arith.extui %sign3A_202 : i1 to i32
        %sign3A_204 = arith.constant 0 : i32
        %sign3A_205 = arith.cmpi slt, %add3A_200, %sign3A_204 : i32
        %sign3A_206 = arith.extui %sign3A_205 : i1 to i32
        %sign3A_207 = arith.subi %sign3A_203, %sign3A_206 : i32
        %sign3A_208 = arith.constant 0 : i32
        %sign3A_209 = arith.cmpi sgt, %jit3A_201, %sign3A_208 : i32
        %sign3A_210 = arith.extui %sign3A_209 : i1 to i32
        %sign3A_211 = arith.constant 0 : i32
        %sign3A_212 = arith.cmpi slt, %jit3A_201, %sign3A_211 : i32
        %sign3A_213 = arith.extui %sign3A_212 : i1 to i32
        %sign3A_214 = arith.subi %sign3A_210, %sign3A_213 : i32
        %ne3A_215 = arith.cmpi ne, %sign3A_207, %sign3A_214 : i32
        %rem3A_216 = arith.remsi %add3A_200, %jit3A_201 : i32
        %ne3A_217 = arith.constant 0 : i32
        %ne3A_218 = arith.cmpi ne, %rem3A_216, %ne3A_217 : i32
        %and3A_219 = arith.andi %ne3A_215, %ne3A_218 : i1
        %sub3A = arith.constant 1 : i32
        %sub3A_220 = arith.subi %div3A, %sub3A : i32
        %select_n3A_221 = arith.select %and3A_219, %sub3A_220, %div3A : i32
        %add3A_222 = arith.addi %mul3A_198, %select_n3A_221 : i32
        "tpu.region"() ({
          %run_scoped3A = tpu.sem_alloc : memref<!tpu.dma_semaphore, #tpu.memory_space<semaphore_mem>>
          %dma_start3A_228 = arith.constant 0 : i32
          %dma_start3A_229 = tpu.memref_slice %arg4[%add3A_222, %dma_start3A_228] : memref<128x1024xf32, #tpu.memory_space<hbm>> -> memref<1x1024xf32, #tpu.memory_space<hbm>>
          %dma_start3A_230 = arith.constant 0 : i32
          %dma_start3A_231 = tpu.memref_slice %arg4[%add3A_222, %dma_start3A_230] : memref<128x1024xf32, #tpu.memory_space<hbm>> -> memref<1x1024xf32, #tpu.memory_space<hbm>>
          tpu.enqueue_dma source(%arg10 : memref<1x1024xf32, #tpu.memory_space<vmem>>) target(%dma_start3A_231 : memref<1x1024xf32, #tpu.memory_space<hbm>>) target_semaphore(%run_scoped3A : memref<!tpu.dma_semaphore, #tpu.memory_space<semaphore_mem>>)
          %dma_wait3A_232 = arith.constant 0 : i32
          %dma_wait3A_233 = tpu.memref_slice %arg4[%add3A_222, %dma_wait3A_232] : memref<128x1024xf32, #tpu.memory_space<hbm>> -> memref<1x1024xf32, #tpu.memory_space<hbm>>
          %dma_wait3A_234 = arith.constant 0 : i32
          %dma_wait3A_235 = tpu.memref_slice %arg4[%add3A_222, %dma_wait3A_234] : memref<128x1024xf32, #tpu.memory_space<hbm>> -> memref<1x1024xf32, #tpu.memory_space<hbm>>
          tpu.wait_dma2 semaphore(%run_scoped3A : memref<!tpu.dma_semaphore, #tpu.memory_space<semaphore_mem>>) src(%arg10 : memref<1x1024xf32, #tpu.memory_space<vmem>>) dst(%dma_wait3A_235 : memref<1x1024xf32, #tpu.memory_space<hbm>>)
          tpu.yield
        }) : () -> ()
        %scan3A_223 = arith.constant 0 : i32
        %scan3A_224 = arith.constant 64 : i32
        %scan3A_225 = arith.addi %scan3A_223, %scan3A_224 : i32
        %scan3A_226 = arith.constant 1 : i32
        scf.for %scan3A_228 = %scan3A_223 to %scan3A_225 step %scan3A_226  : i32 {
          %mul3A_229 = arith.constant 1 : i32
          %mul3A_230 = arith.muli %scan3A_228, %mul3A_229 : i32
          %add3A_231 = arith.constant 0 : i32
          %add3A_232 = arith.addi %add3A_231, %mul3A_230 : i32
          %mul3A_233 = arith.constant 16 : i32
          %mul3A_234 = arith.muli %add3A_232, %mul3A_233 : i32
          %broadcast_in_dim3A = arith.constant 0.000000e+00 : f32
          %broadcast_in_dim3A_235 = vector.broadcast %broadcast_in_dim3A : f32 to vector<16xf32>
          %swap3A = arith.constant 0 : i32
          %swap3A_236 = arith.index_cast %swap3A : i32 to index
          %swap3A_237 = arith.index_cast %mul3A_234 : i32 to index
          %swap3A_238 = tpu.vector_load %arg10[%swap3A_236, %swap3A_237] {strides = array<i32>} : memref<1x1024xf32, #tpu.memory_space<vmem>>, vector<1x16xf32>,
          %swap3A_239 = vector.shape_cast %swap3A_238 : vector<1x16xf32> to vector<16xf32>
          %swap3A_240 = vector.shape_cast %broadcast_in_dim3A_235 : vector<16xf32> to vector<1x16xf32>
          tpu.vector_store %arg10[%swap3A_236, %swap3A_237], %swap3A_240 {strides = array<i32>} : memref<1x1024xf32, #tpu.memory_space<vmem>>, vector<1x16xf32>,
        }
        %scan3A_227 = arith.constant 64 : i32
      } else {
      }
      %add3A_111 = arith.constant 2 : i32
      %add3A_112 = arith.addi %add3A_35, %add3A_111 : i32
      %mul3A_113 = arith.constant 16 : i32
      %mul3A_114 = arith.muli %add3A_112, %mul3A_113 : i32
      %dma_wait3A_115 = tpu.memref_slice %arg5[%mul3A_114] : memref<2048xi32, #tpu.memory_space<vmem>> -> memref<16xi32, #tpu.memory_space<vmem>>
      %dma_wait3A_116 = arith.constant 0 : i32
      %dma_wait3A_117 = arith.constant 0 : i32
      %dma_wait3A_118 = tpu.memref_slice %arg2[%dma_wait3A_116, %dma_wait3A_117] : memref<50265x1024xf32, #tpu.memory_space<hbm>> -> memref<50265x1024xf32, #tpu.memory_space<hbm>>
      tpu.wait_indirect_dma semaphore(%arg13 : memref<!tpu.dma_semaphore, #tpu.memory_space<semaphore_mem>>) src(%dma_wait3A_118 : memref<50265x1024xf32, #tpu.memory_space<hbm>>) dst(%arg8 : memref<16x1024xf32, #tpu.memory_space<vmem>>)
      %parallel_loop3A_119 = arith.constant 0 : i32
      %parallel_loop3A_120 = arith.constant 64 : i32
      %parallel_loop3A_121 = arith.constant 1 : i32
      scf.for %parallel_loop3A_197 = %parallel_loop3A_119 to %parallel_loop3A_120 step %parallel_loop3A_121  : i32 {
        %parallel_loop3A_198 = arith.constant 16 : i32
        %parallel_loop3A_199 = arith.muli %parallel_loop3A_197, %parallel_loop3A_198 : i32
        %parallel_loop3A_200 = arith.constant 0 : i32
        %parallel_loop3A_201 = arith.index_cast %parallel_loop3A_200 : i32 to index
        %parallel_loop3A_202 = arith.index_cast %parallel_loop3A_199 : i32 to index
        %parallel_loop3A_203 = tpu.vector_load %arg8[%parallel_loop3A_201, %parallel_loop3A_202] {strides = array<i32>} : memref<16x1024xf32, #tpu.memory_space<vmem>>, vector<1x16xf32>,
        %parallel_loop3A_204 = vector.shape_cast %parallel_loop3A_203 : vector<1x16xf32> to vector<16xf32>
        %parallel_loop3A_205 = arith.constant 1 : i32
        %parallel_loop3A_206 = arith.index_cast %parallel_loop3A_205 : i32 to index
        %parallel_loop3A_207 = arith.index_cast %parallel_loop3A_199 : i32 to index
        %parallel_loop3A_208 = tpu.vector_load %arg8[%parallel_loop3A_206, %parallel_loop3A_207] {strides = array<i32>} : memref<16x1024xf32, #tpu.memory_space<vmem>>, vector<1x16xf32>,
        %parallel_loop3A_209 = vector.shape_cast %parallel_loop3A_208 : vector<1x16xf32> to vector<16xf32>
        %parallel_loop3A_210 = arith.constant 2 : i32
        %parallel_loop3A_211 = arith.index_cast %parallel_loop3A_210 : i32 to index
        %parallel_loop3A_212 = arith.index_cast %parallel_loop3A_199 : i32 to index
        %parallel_loop3A_213 = tpu.vector_load %arg8[%parallel_loop3A_211, %parallel_loop3A_212] {strides = array<i32>} : memref<16x1024xf32, #tpu.memory_space<vmem>>, vector<1x16xf32>,
        %parallel_loop3A_214 = vector.shape_cast %parallel_loop3A_213 : vector<1x16xf32> to vector<16xf32>
        %parallel_loop3A_215 = arith.constant 3 : i32
        %parallel_loop3A_216 = arith.index_cast %parallel_loop3A_215 : i32 to index
        %parallel_loop3A_217 = arith.index_cast %parallel_loop3A_199 : i32 to index
        %parallel_loop3A_218 = tpu.vector_load %arg8[%parallel_loop3A_216, %parallel_loop3A_217] {strides = array<i32>} : memref<16x1024xf32, #tpu.memory_space<vmem>>, vector<1x16xf32>,
        %parallel_loop3A_219 = vector.shape_cast %parallel_loop3A_218 : vector<1x16xf32> to vector<16xf32>
        %parallel_loop3A_220 = arith.constant 4 : i32
        %parallel_loop3A_221 = arith.index_cast %parallel_loop3A_220 : i32 to index
        %parallel_loop3A_222 = arith.index_cast %parallel_loop3A_199 : i32 to index
        %parallel_loop3A_223 = tpu.vector_load %arg8[%parallel_loop3A_221, %parallel_loop3A_222] {strides = array<i32>} : memref<16x1024xf32, #tpu.memory_space<vmem>>, vector<1x16xf32>,
        %parallel_loop3A_224 = vector.shape_cast %parallel_loop3A_223 : vector<1x16xf32> to vector<16xf32>
        %parallel_loop3A_225 = arith.constant 5 : i32
        %parallel_loop3A_226 = arith.index_cast %parallel_loop3A_225 : i32 to index
        %parallel_loop3A_227 = arith.index_cast %parallel_loop3A_199 : i32 to index
        %parallel_loop3A_228 = tpu.vector_load %arg8[%parallel_loop3A_226, %parallel_loop3A_227] {strides = array<i32>} : memref<16x1024xf32, #tpu.memory_space<vmem>>, vector<1x16xf32>,
        %parallel_loop3A_229 = vector.shape_cast %parallel_loop3A_228 : vector<1x16xf32> to vector<16xf32>
        %parallel_loop3A_230 = arith.constant 6 : i32
        %parallel_loop3A_231 = arith.index_cast %parallel_loop3A_230 : i32 to index
        %parallel_loop3A_232 = arith.index_cast %parallel_loop3A_199 : i32 to index
        %parallel_loop3A_233 = tpu.vector_load %arg8[%parallel_loop3A_231, %parallel_loop3A_232] {strides = array<i32>} : memref<16x1024xf32, #tpu.memory_space<vmem>>, vector<1x16xf32>,
        %parallel_loop3A_234 = vector.shape_cast %parallel_loop3A_233 : vector<1x16xf32> to vector<16xf32>
        %parallel_loop3A_235 = arith.constant 7 : i32
        %parallel_loop3A_236 = arith.index_cast %parallel_loop3A_235 : i32 to index
        %parallel_loop3A_237 = arith.index_cast %parallel_loop3A_199 : i32 to index
        %parallel_loop3A_238 = tpu.vector_load %arg8[%parallel_loop3A_236, %parallel_loop3A_237] {strides = array<i32>} : memref<16x1024xf32, #tpu.memory_space<vmem>>, vector<1x16xf32>,
        %parallel_loop3A_239 = vector.shape_cast %parallel_loop3A_238 : vector<1x16xf32> to vector<16xf32>
        %parallel_loop3A_240 = arith.constant 8 : i32
        %parallel_loop3A_241 = arith.index_cast %parallel_loop3A_240 : i32 to index
        %parallel_loop3A_242 = arith.index_cast %parallel_loop3A_199 : i32 to index
        %parallel_loop3A_243 = tpu.vector_load %arg8[%parallel_loop3A_241, %parallel_loop3A_242] {strides = array<i32>} : memref<16x1024xf32, #tpu.memory_space<vmem>>, vector<1x16xf32>,
        %parallel_loop3A_244 = vector.shape_cast %parallel_loop3A_243 : vector<1x16xf32> to vector<16xf32>
        %parallel_loop3A_245 = arith.constant 9 : i32
        %parallel_loop3A_246 = arith.index_cast %parallel_loop3A_245 : i32 to index
        %parallel_loop3A_247 = arith.index_cast %parallel_loop3A_199 : i32 to index
        %parallel_loop3A_248 = tpu.vector_load %arg8[%parallel_loop3A_246, %parallel_loop3A_247] {strides = array<i32>} : memref<16x1024xf32, #tpu.memory_space<vmem>>, vector<1x16xf32>,
        %parallel_loop3A_249 = vector.shape_cast %parallel_loop3A_248 : vector<1x16xf32> to vector<16xf32>
        %parallel_loop3A_250 = arith.constant 10 : i32
        %parallel_loop3A_251 = arith.index_cast %parallel_loop3A_250 : i32 to index
        %parallel_loop3A_252 = arith.index_cast %parallel_loop3A_199 : i32 to index
        %parallel_loop3A_253 = tpu.vector_load %arg8[%parallel_loop3A_251, %parallel_loop3A_252] {strides = array<i32>} : memref<16x1024xf32, #tpu.memory_space<vmem>>, vector<1x16xf32>,
        %parallel_loop3A_254 = vector.shape_cast %parallel_loop3A_253 : vector<1x16xf32> to vector<16xf32>
        %parallel_loop3A_255 = arith.constant 11 : i32
        %parallel_loop3A_256 = arith.index_cast %parallel_loop3A_255 : i32 to index
        %parallel_loop3A_257 = arith.index_cast %parallel_loop3A_199 : i32 to index
        %parallel_loop3A_258 = tpu.vector_load %arg8[%parallel_loop3A_256, %parallel_loop3A_257] {strides = array<i32>} : memref<16x1024xf32, #tpu.memory_space<vmem>>, vector<1x16xf32>,
        %parallel_loop3A_259 = vector.shape_cast %parallel_loop3A_258 : vector<1x16xf32> to vector<16xf32>
        %parallel_loop3A_260 = arith.constant 12 : i32
        %parallel_loop3A_261 = arith.index_cast %parallel_loop3A_260 : i32 to index
        %parallel_loop3A_262 = arith.index_cast %parallel_loop3A_199 : i32 to index
        %parallel_loop3A_263 = tpu.vector_load %arg8[%parallel_loop3A_261, %parallel_loop3A_262] {strides = array<i32>} : memref<16x1024xf32, #tpu.memory_space<vmem>>, vector<1x16xf32>,
        %parallel_loop3A_264 = vector.shape_cast %parallel_loop3A_263 : vector<1x16xf32> to vector<16xf32>
        %parallel_loop3A_265 = arith.constant 13 : i32
        %parallel_loop3A_266 = arith.index_cast %parallel_loop3A_265 : i32 to index
        %parallel_loop3A_267 = arith.index_cast %parallel_loop3A_199 : i32 to index
        %parallel_loop3A_268 = tpu.vector_load %arg8[%parallel_loop3A_266, %parallel_loop3A_267] {strides = array<i32>} : memref<16x1024xf32, #tpu.memory_space<vmem>>, vector<1x16xf32>,
        %parallel_loop3A_269 = vector.shape_cast %parallel_loop3A_268 : vector<1x16xf32> to vector<16xf32>
        %parallel_loop3A_270 = arith.constant 14 : i32
        %parallel_loop3A_271 = arith.index_cast %parallel_loop3A_270 : i32 to index
        %parallel_loop3A_272 = arith.index_cast %parallel_loop3A_199 : i32 to index
        %parallel_loop3A_273 = tpu.vector_load %arg8[%parallel_loop3A_271, %parallel_loop3A_272] {strides = array<i32>} : memref<16x1024xf32, #tpu.memory_space<vmem>>, vector<1x16xf32>,
        %parallel_loop3A_274 = vector.shape_cast %parallel_loop3A_273 : vector<1x16xf32> to vector<16xf32>
        %parallel_loop3A_275 = arith.constant 15 : i32
        %parallel_loop3A_276 = arith.index_cast %parallel_loop3A_275 : i32 to index
        %parallel_loop3A_277 = arith.index_cast %parallel_loop3A_199 : i32 to index
        %parallel_loop3A_278 = tpu.vector_load %arg8[%parallel_loop3A_276, %parallel_loop3A_277] {strides = array<i32>} : memref<16x1024xf32, #tpu.memory_space<vmem>>, vector<1x16xf32>,
        %parallel_loop3A_279 = vector.shape_cast %parallel_loop3A_278 : vector<1x16xf32> to vector<16xf32>
        %parallel_loop3A_280 = arith.addf %parallel_loop3A_204, %parallel_loop3A_209 : vector<16xf32>
        %parallel_loop3A_281 = arith.addf %parallel_loop3A_214, %parallel_loop3A_219 : vector<16xf32>
        %parallel_loop3A_282 = arith.addf %parallel_loop3A_224, %parallel_loop3A_229 : vector<16xf32>
        %parallel_loop3A_283 = arith.addf %parallel_loop3A_234, %parallel_loop3A_239 : vector<16xf32>
        %parallel_loop3A_284 = arith.addf %parallel_loop3A_244, %parallel_loop3A_249 : vector<16xf32>
        %parallel_loop3A_285 = arith.addf %parallel_loop3A_254, %parallel_loop3A_259 : vector<16xf32>
        %parallel_loop3A_286 = arith.addf %parallel_loop3A_264, %parallel_loop3A_269 : vector<16xf32>
        %parallel_loop3A_287 = arith.addf %parallel_loop3A_274, %parallel_loop3A_279 : vector<16xf32>
        %parallel_loop3A_288 = arith.addf %parallel_loop3A_280, %parallel_loop3A_281 : vector<16xf32>
        %parallel_loop3A_289 = arith.addf %parallel_loop3A_282, %parallel_loop3A_283 : vector<16xf32>
        %parallel_loop3A_290 = arith.addf %parallel_loop3A_284, %parallel_loop3A_285 : vector<16xf32>
        %parallel_loop3A_291 = arith.addf %parallel_loop3A_286, %parallel_loop3A_287 : vector<16xf32>
        %parallel_loop3A_292 = arith.addf %parallel_loop3A_288, %parallel_loop3A_289 : vector<16xf32>
        %parallel_loop3A_293 = arith.addf %parallel_loop3A_290, %parallel_loop3A_291 : vector<16xf32>
        %parallel_loop3A_294 = arith.addf %parallel_loop3A_292, %parallel_loop3A_293 : vector<16xf32>
        %parallel_loop3A_295 = arith.constant 0 : i32
        %parallel_loop3A_296 = arith.index_cast %parallel_loop3A_295 : i32 to index
        %parallel_loop3A_297 = arith.index_cast %parallel_loop3A_199 : i32 to index
        %parallel_loop3A_298 = tpu.vector_load %arg10[%parallel_loop3A_296, %parallel_loop3A_297] {strides = array<i32>} : memref<1x1024xf32, #tpu.memory_space<vmem>>, vector<1x16xf32>,
        %parallel_loop3A_299 = vector.shape_cast %parallel_loop3A_298 : vector<1x16xf32> to vector<16xf32>
        %parallel_loop3A_300 = vector.shape_cast %parallel_loop3A_294 : vector<16xf32> to vector<1x16xf32>
        tpu.vector_store %arg10[%parallel_loop3A_296, %parallel_loop3A_297], %parallel_loop3A_300 {add = true, strides = array<i32>} : memref<1x1024xf32, #tpu.memory_space<vmem>>, vector<1x16xf32>,
      } {sc.loop_unroll_factor = 1 : i64, sc.parallel_access}
      %add3A_122 = arith.constant 2 : i32
      %add3A_123 = arith.addi %add3A_35, %add3A_122 : i32
      %add3A_124 = arith.constant 4 : i32
      %add3A_125 = arith.addi %add3A_123, %add3A_124 : i32
      %lt3A_126 = arith.constant 128 : i32
      %lt3A_127 = arith.cmpi slt, %add3A_125, %lt3A_126 : i32
      %convert_element_type3A_128 = arith.extui %lt3A_127 : i1 to i32
      %cond3A_129 = arith.constant 0 : i32
      %cond3A_130 = arith.cmpi ne, %convert_element_type3A_128, %cond3A_129 : i32
      scf.if %cond3A_130 {
        %add3A_197 = arith.constant 2 : i32
        %add3A_198 = arith.addi %add3A_35, %add3A_197 : i32
        %add3A_199 = arith.constant 4 : i32
        %add3A_200 = arith.addi %add3A_198, %add3A_199 : i32
        %mul3A_201 = arith.constant 16 : i32
        %mul3A_202 = arith.muli %add3A_200, %mul3A_201 : i32
        %dma_start3A_203 = tpu.memref_slice %arg5[%mul3A_202] : memref<2048xi32, #tpu.memory_space<vmem>> -> memref<16xi32, #tpu.memory_space<vmem>>
        %dma_start3A_204 = arith.constant 0 : i32
        %dma_start3A_205 = arith.constant 0 : i32
        %dma_start3A_206 = tpu.memref_slice %arg2[%dma_start3A_204, %dma_start3A_205] : memref<50265x1024xf32, #tpu.memory_space<hbm>> -> memref<50265x1024xf32, #tpu.memory_space<hbm>>
        tpu.enqueue_indirect_dma source(%dma_start3A_206 : memref<50265x1024xf32, #tpu.memory_space<hbm>>) target(%arg8 : memref<16x1024xf32, #tpu.memory_space<vmem>>) offsets(%dma_start3A_203 : memref<16xi32, #tpu.memory_space<vmem>>) semaphore(%arg13 : memref<!tpu.dma_semaphore, #tpu.memory_space<semaphore_mem>>)
      } else {
      }
      %add3A_131 = arith.constant 2 : i32
      %add3A_132 = arith.addi %add3A_35, %add3A_131 : i32
      %jit3A_133 = arith.constant 32 : i32
      %eq3A_134 = arith.constant 0 : i32
      %eq3A_135 = arith.cmpi eq, %jit3A_133, %eq3A_134 : i32
      %jit3A_136 = arith.constant 1 : i32
      %select_n3A_137 = arith.select %eq3A_135, %jit3A_136, %jit3A_133 : i32
      %rem3A_138 = arith.remsi %add3A_132, %select_n3A_137 : i32
      %ne3A_139 = arith.constant 0 : i32
      %ne3A_140 = arith.cmpi ne, %rem3A_138, %ne3A_139 : i32
      %lt3A_141 = arith.constant 0 : i32
      %lt3A_142 = arith.cmpi slt, %rem3A_138, %lt3A_141 : i32
      %lt3A_143 = arith.constant 0 : i32
      %lt3A_144 = arith.cmpi slt, %select_n3A_137, %lt3A_143 : i32
      %ne3A_145 = arith.xori %lt3A_142, %lt3A_144 : i1
      %and3A_146 = arith.andi %ne3A_145, %ne3A_140 : i1
      %add3A_147 = arith.addi %rem3A_138, %select_n3A_137 : i32
      %select_n3A_148 = arith.select %and3A_146, %add3A_147, %rem3A_138 : i32
      %eq3A_149 = arith.constant 31 : i32
      %eq3A_150 = arith.cmpi eq, %select_n3A_148, %eq3A_149 : i32
      %convert_element_type3A_151 = arith.extui %eq3A_150 : i1 to i32
      %cond3A_152 = arith.constant 0 : i32
      %cond3A_153 = arith.cmpi ne, %convert_element_type3A_151, %cond3A_152 : i32
      scf.if %cond3A_153 {
        %mul3A_197 = arith.constant 4 : i32
        %mul3A_198 = arith.muli %add3A, %mul3A_197 : i32
        %add3A_199 = arith.constant 2 : i32
        %add3A_200 = arith.addi %add3A_35, %add3A_199 : i32
        %jit3A_201 = arith.constant 32 : i32
        %div3A = arith.divsi %add3A_200, %jit3A_201 : i32
        %sign3A = arith.constant 0 : i32
        %sign3A_202 = arith.cmpi sgt, %add3A_200, %sign3A : i32
        %sign3A_203 = arith.extui %sign3A_202 : i1 to i32
        %sign3A_204 = arith.constant 0 : i32
        %sign3A_205 = arith.cmpi slt, %add3A_200, %sign3A_204 : i32
        %sign3A_206 = arith.extui %sign3A_205 : i1 to i32
        %sign3A_207 = arith.subi %sign3A_203, %sign3A_206 : i32
        %sign3A_208 = arith.constant 0 : i32
        %sign3A_209 = arith.cmpi sgt, %jit3A_201, %sign3A_208 : i32
        %sign3A_210 = arith.extui %sign3A_209 : i1 to i32
        %sign3A_211 = arith.constant 0 : i32
        %sign3A_212 = arith.cmpi slt, %jit3A_201, %sign3A_211 : i32
        %sign3A_213 = arith.extui %sign3A_212 : i1 to i32
        %sign3A_214 = arith.subi %sign3A_210, %sign3A_213 : i32
        %ne3A_215 = arith.cmpi ne, %sign3A_207, %sign3A_214 : i32
        %rem3A_216 = arith.remsi %add3A_200, %jit3A_201 : i32
        %ne3A_217 = arith.constant 0 : i32
        %ne3A_218 = arith.cmpi ne, %rem3A_216, %ne3A_217 : i32
        %and3A_219 = arith.andi %ne3A_215, %ne3A_218 : i1
        %sub3A = arith.constant 1 : i32
        %sub3A_220 = arith.subi %div3A, %sub3A : i32
        %select_n3A_221 = arith.select %and3A_219, %sub3A_220, %div3A : i32
        %add3A_222 = arith.addi %mul3A_198, %select_n3A_221 : i32
        "tpu.region"() ({
          %run_scoped3A = tpu.sem_alloc : memref<!tpu.dma_semaphore, #tpu.memory_space<semaphore_mem>>
          %dma_start3A_228 = arith.constant 0 : i32
          %dma_start3A_229 = tpu.memref_slice %arg4[%add3A_222, %dma_start3A_228] : memref<128x1024xf32, #tpu.memory_space<hbm>> -> memref<1x1024xf32, #tpu.memory_space<hbm>>
          %dma_start3A_230 = arith.constant 0 : i32
          %dma_start3A_231 = tpu.memref_slice %arg4[%add3A_222, %dma_start3A_230] : memref<128x1024xf32, #tpu.memory_space<hbm>> -> memref<1x1024xf32, #tpu.memory_space<hbm>>
          tpu.enqueue_dma source(%arg10 : memref<1x1024xf32, #tpu.memory_space<vmem>>) target(%dma_start3A_231 : memref<1x1024xf32, #tpu.memory_space<hbm>>) target_semaphore(%run_scoped3A : memref<!tpu.dma_semaphore, #tpu.memory_space<semaphore_mem>>)
          %dma_wait3A_232 = arith.constant 0 : i32
          %dma_wait3A_233 = tpu.memref_slice %arg4[%add3A_222, %dma_wait3A_232] : memref<128x1024xf32, #tpu.memory_space<hbm>> -> memref<1x1024xf32, #tpu.memory_space<hbm>>
          %dma_wait3A_234 = arith.constant 0 : i32
          %dma_wait3A_235 = tpu.memref_slice %arg4[%add3A_222, %dma_wait3A_234] : memref<128x1024xf32, #tpu.memory_space<hbm>> -> memref<1x1024xf32, #tpu.memory_space<hbm>>
          tpu.wait_dma2 semaphore(%run_scoped3A : memref<!tpu.dma_semaphore, #tpu.memory_space<semaphore_mem>>) src(%arg10 : memref<1x1024xf32, #tpu.memory_space<vmem>>) dst(%dma_wait3A_235 : memref<1x1024xf32, #tpu.memory_space<hbm>>)
          tpu.yield
        }) : () -> ()
        %scan3A_223 = arith.constant 0 : i32
        %scan3A_224 = arith.constant 64 : i32
        %scan3A_225 = arith.addi %scan3A_223, %scan3A_224 : i32
        %scan3A_226 = arith.constant 1 : i32
        scf.for %scan3A_228 = %scan3A_223 to %scan3A_225 step %scan3A_226  : i32 {
          %mul3A_229 = arith.constant 1 : i32
          %mul3A_230 = arith.muli %scan3A_228, %mul3A_229 : i32
          %add3A_231 = arith.constant 0 : i32
          %add3A_232 = arith.addi %add3A_231, %mul3A_230 : i32
          %mul3A_233 = arith.constant 16 : i32
          %mul3A_234 = arith.muli %add3A_232, %mul3A_233 : i32
          %broadcast_in_dim3A = arith.constant 0.000000e+00 : f32
          %broadcast_in_dim3A_235 = vector.broadcast %broadcast_in_dim3A : f32 to vector<16xf32>
          %swap3A = arith.constant 0 : i32
          %swap3A_236 = arith.index_cast %swap3A : i32 to index
          %swap3A_237 = arith.index_cast %mul3A_234 : i32 to index
          %swap3A_238 = tpu.vector_load %arg10[%swap3A_236, %swap3A_237] {strides = array<i32>} : memref<1x1024xf32, #tpu.memory_space<vmem>>, vector<1x16xf32>,
          %swap3A_239 = vector.shape_cast %swap3A_238 : vector<1x16xf32> to vector<16xf32>
          %swap3A_240 = vector.shape_cast %broadcast_in_dim3A_235 : vector<16xf32> to vector<1x16xf32>
          tpu.vector_store %arg10[%swap3A_236, %swap3A_237], %swap3A_240 {strides = array<i32>} : memref<1x1024xf32, #tpu.memory_space<vmem>>, vector<1x16xf32>,
        }
        %scan3A_227 = arith.constant 64 : i32
      } else {
      }
      %add3A_154 = arith.constant 3 : i32
      %add3A_155 = arith.addi %add3A_35, %add3A_154 : i32
      %mul3A_156 = arith.constant 16 : i32
      %mul3A_157 = arith.muli %add3A_155, %mul3A_156 : i32
      %dma_wait3A_158 = tpu.memref_slice %arg5[%mul3A_157] : memref<2048xi32, #tpu.memory_space<vmem>> -> memref<16xi32, #tpu.memory_space<vmem>>
      %dma_wait3A_159 = arith.constant 0 : i32
      %dma_wait3A_160 = arith.constant 0 : i32
      %dma_wait3A_161 = tpu.memref_slice %arg2[%dma_wait3A_159, %dma_wait3A_160] : memref<50265x1024xf32, #tpu.memory_space<hbm>> -> memref<50265x1024xf32, #tpu.memory_space<hbm>>
      tpu.wait_indirect_dma semaphore(%arg14 : memref<!tpu.dma_semaphore, #tpu.memory_space<semaphore_mem>>) src(%dma_wait3A_161 : memref<50265x1024xf32, #tpu.memory_space<hbm>>) dst(%arg9 : memref<16x1024xf32, #tpu.memory_space<vmem>>)
      %parallel_loop3A_162 = arith.constant 0 : i32
      %parallel_loop3A_163 = arith.constant 64 : i32
      %parallel_loop3A_164 = arith.constant 1 : i32
      scf.for %parallel_loop3A_197 = %parallel_loop3A_162 to %parallel_loop3A_163 step %parallel_loop3A_164  : i32 {
        %parallel_loop3A_198 = arith.constant 16 : i32
        %parallel_loop3A_199 = arith.muli %parallel_loop3A_197, %parallel_loop3A_198 : i32
        %parallel_loop3A_200 = arith.constant 0 : i32
        %parallel_loop3A_201 = arith.index_cast %parallel_loop3A_200 : i32 to index
        %parallel_loop3A_202 = arith.index_cast %parallel_loop3A_199 : i32 to index
        %parallel_loop3A_203 = tpu.vector_load %arg9[%parallel_loop3A_201, %parallel_loop3A_202] {strides = array<i32>} : memref<16x1024xf32, #tpu.memory_space<vmem>>, vector<1x16xf32>,
        %parallel_loop3A_204 = vector.shape_cast %parallel_loop3A_203 : vector<1x16xf32> to vector<16xf32>
        %parallel_loop3A_205 = arith.constant 1 : i32
        %parallel_loop3A_206 = arith.index_cast %parallel_loop3A_205 : i32 to index
        %parallel_loop3A_207 = arith.index_cast %parallel_loop3A_199 : i32 to index
        %parallel_loop3A_208 = tpu.vector_load %arg9[%parallel_loop3A_206, %parallel_loop3A_207] {strides = array<i32>} : memref<16x1024xf32, #tpu.memory_space<vmem>>, vector<1x16xf32>,
        %parallel_loop3A_209 = vector.shape_cast %parallel_loop3A_208 : vector<1x16xf32> to vector<16xf32>
        %parallel_loop3A_210 = arith.constant 2 : i32
        %parallel_loop3A_211 = arith.index_cast %parallel_loop3A_210 : i32 to index
        %parallel_loop3A_212 = arith.index_cast %parallel_loop3A_199 : i32 to index
        %parallel_loop3A_213 = tpu.vector_load %arg9[%parallel_loop3A_211, %parallel_loop3A_212] {strides = array<i32>} : memref<16x1024xf32, #tpu.memory_space<vmem>>, vector<1x16xf32>,
        %parallel_loop3A_214 = vector.shape_cast %parallel_loop3A_213 : vector<1x16xf32> to vector<16xf32>
        %parallel_loop3A_215 = arith.constant 3 : i32
        %parallel_loop3A_216 = arith.index_cast %parallel_loop3A_215 : i32 to index
        %parallel_loop3A_217 = arith.index_cast %parallel_loop3A_199 : i32 to index
        %parallel_loop3A_218 = tpu.vector_load %arg9[%parallel_loop3A_216, %parallel_loop3A_217] {strides = array<i32>} : memref<16x1024xf32, #tpu.memory_space<vmem>>, vector<1x16xf32>,
        %parallel_loop3A_219 = vector.shape_cast %parallel_loop3A_218 : vector<1x16xf32> to vector<16xf32>
        %parallel_loop3A_220 = arith.constant 4 : i32
        %parallel_loop3A_221 = arith.index_cast %parallel_loop3A_220 : i32 to index
        %parallel_loop3A_222 = arith.index_cast %parallel_loop3A_199 : i32 to index
        %parallel_loop3A_223 = tpu.vector_load %arg9[%parallel_loop3A_221, %parallel_loop3A_222] {strides = array<i32>} : memref<16x1024xf32, #tpu.memory_space<vmem>>, vector<1x16xf32>,
        %parallel_loop3A_224 = vector.shape_cast %parallel_loop3A_223 : vector<1x16xf32> to vector<16xf32>
        %parallel_loop3A_225 = arith.constant 5 : i32
        %parallel_loop3A_226 = arith.index_cast %parallel_loop3A_225 : i32 to index
        %parallel_loop3A_227 = arith.index_cast %parallel_loop3A_199 : i32 to index
        %parallel_loop3A_228 = tpu.vector_load %arg9[%parallel_loop3A_226, %parallel_loop3A_227] {strides = array<i32>} : memref<16x1024xf32, #tpu.memory_space<vmem>>, vector<1x16xf32>,
        %parallel_loop3A_229 = vector.shape_cast %parallel_loop3A_228 : vector<1x16xf32> to vector<16xf32>
        %parallel_loop3A_230 = arith.constant 6 : i32
        %parallel_loop3A_231 = arith.index_cast %parallel_loop3A_230 : i32 to index
        %parallel_loop3A_232 = arith.index_cast %parallel_loop3A_199 : i32 to index
        %parallel_loop3A_233 = tpu.vector_load %arg9[%parallel_loop3A_231, %parallel_loop3A_232] {strides = array<i32>} : memref<16x1024xf32, #tpu.memory_space<vmem>>, vector<1x16xf32>,
        %parallel_loop3A_234 = vector.shape_cast %parallel_loop3A_233 : vector<1x16xf32> to vector<16xf32>
        %parallel_loop3A_235 = arith.constant 7 : i32
        %parallel_loop3A_236 = arith.index_cast %parallel_loop3A_235 : i32 to index
        %parallel_loop3A_237 = arith.index_cast %parallel_loop3A_199 : i32 to index
        %parallel_loop3A_238 = tpu.vector_load %arg9[%parallel_loop3A_236, %parallel_loop3A_237] {strides = array<i32>} : memref<16x1024xf32, #tpu.memory_space<vmem>>, vector<1x16xf32>,
        %parallel_loop3A_239 = vector.shape_cast %parallel_loop3A_238 : vector<1x16xf32> to vector<16xf32>
        %parallel_loop3A_240 = arith.constant 8 : i32
        %parallel_loop3A_241 = arith.index_cast %parallel_loop3A_240 : i32 to index
        %parallel_loop3A_242 = arith.index_cast %parallel_loop3A_199 : i32 to index
        %parallel_loop3A_243 = tpu.vector_load %arg9[%parallel_loop3A_241, %parallel_loop3A_242] {strides = array<i32>} : memref<16x1024xf32, #tpu.memory_space<vmem>>, vector<1x16xf32>,
        %parallel_loop3A_244 = vector.shape_cast %parallel_loop3A_243 : vector<1x16xf32> to vector<16xf32>
        %parallel_loop3A_245 = arith.constant 9 : i32
        %parallel_loop3A_246 = arith.index_cast %parallel_loop3A_245 : i32 to index
        %parallel_loop3A_247 = arith.index_cast %parallel_loop3A_199 : i32 to index
        %parallel_loop3A_248 = tpu.vector_load %arg9[%parallel_loop3A_246, %parallel_loop3A_247] {strides = array<i32>} : memref<16x1024xf32, #tpu.memory_space<vmem>>, vector<1x16xf32>,
        %parallel_loop3A_249 = vector.shape_cast %parallel_loop3A_248 : vector<1x16xf32> to vector<16xf32>
        %parallel_loop3A_250 = arith.constant 10 : i32
        %parallel_loop3A_251 = arith.index_cast %parallel_loop3A_250 : i32 to index
        %parallel_loop3A_252 = arith.index_cast %parallel_loop3A_199 : i32 to index
        %parallel_loop3A_253 = tpu.vector_load %arg9[%parallel_loop3A_251, %parallel_loop3A_252] {strides = array<i32>} : memref<16x1024xf32, #tpu.memory_space<vmem>>, vector<1x16xf32>,
        %parallel_loop3A_254 = vector.shape_cast %parallel_loop3A_253 : vector<1x16xf32> to vector<16xf32>
        %parallel_loop3A_255 = arith.constant 11 : i32
        %parallel_loop3A_256 = arith.index_cast %parallel_loop3A_255 : i32 to index
        %parallel_loop3A_257 = arith.index_cast %parallel_loop3A_199 : i32 to index
        %parallel_loop3A_258 = tpu.vector_load %arg9[%parallel_loop3A_256, %parallel_loop3A_257] {strides = array<i32>} : memref<16x1024xf32, #tpu.memory_space<vmem>>, vector<1x16xf32>,
        %parallel_loop3A_259 = vector.shape_cast %parallel_loop3A_258 : vector<1x16xf32> to vector<16xf32>
        %parallel_loop3A_260 = arith.constant 12 : i32
        %parallel_loop3A_261 = arith.index_cast %parallel_loop3A_260 : i32 to index
        %parallel_loop3A_262 = arith.index_cast %parallel_loop3A_199 : i32 to index
        %parallel_loop3A_263 = tpu.vector_load %arg9[%parallel_loop3A_261, %parallel_loop3A_262] {strides = array<i32>} : memref<16x1024xf32, #tpu.memory_space<vmem>>, vector<1x16xf32>,
        %parallel_loop3A_264 = vector.shape_cast %parallel_loop3A_263 : vector<1x16xf32> to vector<16xf32>
        %parallel_loop3A_265 = arith.constant 13 : i32
        %parallel_loop3A_266 = arith.index_cast %parallel_loop3A_265 : i32 to index
        %parallel_loop3A_267 = arith.index_cast %parallel_loop3A_199 : i32 to index
        %parallel_loop3A_268 = tpu.vector_load %arg9[%parallel_loop3A_266, %parallel_loop3A_267] {strides = array<i32>} : memref<16x1024xf32, #tpu.memory_space<vmem>>, vector<1x16xf32>,
        %parallel_loop3A_269 = vector.shape_cast %parallel_loop3A_268 : vector<1x16xf32> to vector<16xf32>
        %parallel_loop3A_270 = arith.constant 14 : i32
        %parallel_loop3A_271 = arith.index_cast %parallel_loop3A_270 : i32 to index
        %parallel_loop3A_272 = arith.index_cast %parallel_loop3A_199 : i32 to index
        %parallel_loop3A_273 = tpu.vector_load %arg9[%parallel_loop3A_271, %parallel_loop3A_272] {strides = array<i32>} : memref<16x1024xf32, #tpu.memory_space<vmem>>, vector<1x16xf32>,
        %parallel_loop3A_274 = vector.shape_cast %parallel_loop3A_273 : vector<1x16xf32> to vector<16xf32>
        %parallel_loop3A_275 = arith.constant 15 : i32
        %parallel_loop3A_276 = arith.index_cast %parallel_loop3A_275 : i32 to index
        %parallel_loop3A_277 = arith.index_cast %parallel_loop3A_199 : i32 to index
        %parallel_loop3A_278 = tpu.vector_load %arg9[%parallel_loop3A_276, %parallel_loop3A_277] {strides = array<i32>} : memref<16x1024xf32, #tpu.memory_space<vmem>>, vector<1x16xf32>,
        %parallel_loop3A_279 = vector.shape_cast %parallel_loop3A_278 : vector<1x16xf32> to vector<16xf32>
        %parallel_loop3A_280 = arith.addf %parallel_loop3A_204, %parallel_loop3A_209 : vector<16xf32>
        %parallel_loop3A_281 = arith.addf %parallel_loop3A_214, %parallel_loop3A_219 : vector<16xf32>
        %parallel_loop3A_282 = arith.addf %parallel_loop3A_224, %parallel_loop3A_229 : vector<16xf32>
        %parallel_loop3A_283 = arith.addf %parallel_loop3A_234, %parallel_loop3A_239 : vector<16xf32>
        %parallel_loop3A_284 = arith.addf %parallel_loop3A_244, %parallel_loop3A_249 : vector<16xf32>
        %parallel_loop3A_285 = arith.addf %parallel_loop3A_254, %parallel_loop3A_259 : vector<16xf32>
        %parallel_loop3A_286 = arith.addf %parallel_loop3A_264, %parallel_loop3A_269 : vector<16xf32>
        %parallel_loop3A_287 = arith.addf %parallel_loop3A_274, %parallel_loop3A_279 : vector<16xf32>
        %parallel_loop3A_288 = arith.addf %parallel_loop3A_280, %parallel_loop3A_281 : vector<16xf32>
        %parallel_loop3A_289 = arith.addf %parallel_loop3A_282, %parallel_loop3A_283 : vector<16xf32>
        %parallel_loop3A_290 = arith.addf %parallel_loop3A_284, %parallel_loop3A_285 : vector<16xf32>
        %parallel_loop3A_291 = arith.addf %parallel_loop3A_286, %parallel_loop3A_287 : vector<16xf32>
        %parallel_loop3A_292 = arith.addf %parallel_loop3A_288, %parallel_loop3A_289 : vector<16xf32>
        %parallel_loop3A_293 = arith.addf %parallel_loop3A_290, %parallel_loop3A_291 : vector<16xf32>
        %parallel_loop3A_294 = arith.addf %parallel_loop3A_292, %parallel_loop3A_293 : vector<16xf32>
        %parallel_loop3A_295 = arith.constant 0 : i32
        %parallel_loop3A_296 = arith.index_cast %parallel_loop3A_295 : i32 to index
        %parallel_loop3A_297 = arith.index_cast %parallel_loop3A_199 : i32 to index
        %parallel_loop3A_298 = tpu.vector_load %arg10[%parallel_loop3A_296, %parallel_loop3A_297] {strides = array<i32>} : memref<1x1024xf32, #tpu.memory_space<vmem>>, vector<1x16xf32>,
        %parallel_loop3A_299 = vector.shape_cast %parallel_loop3A_298 : vector<1x16xf32> to vector<16xf32>
        %parallel_loop3A_300 = vector.shape_cast %parallel_loop3A_294 : vector<16xf32> to vector<1x16xf32>
        tpu.vector_store %arg10[%parallel_loop3A_296, %parallel_loop3A_297], %parallel_loop3A_300 {add = true, strides = array<i32>} : memref<1x1024xf32, #tpu.memory_space<vmem>>, vector<1x16xf32>,
      } {sc.loop_unroll_factor = 1 : i64, sc.parallel_access}
      %add3A_165 = arith.constant 3 : i32
      %add3A_166 = arith.addi %add3A_35, %add3A_165 : i32
      %add3A_167 = arith.constant 4 : i32
      %add3A_168 = arith.addi %add3A_166, %add3A_167 : i32
      %lt3A_169 = arith.constant 128 : i32
      %lt3A_170 = arith.cmpi slt, %add3A_168, %lt3A_169 : i32
      %convert_element_type3A_171 = arith.extui %lt3A_170 : i1 to i32
      %cond3A_172 = arith.constant 0 : i32
      %cond3A_173 = arith.cmpi ne, %convert_element_type3A_171, %cond3A_172 : i32
      scf.if %cond3A_173 {
        %add3A_197 = arith.constant 3 : i32
        %add3A_198 = arith.addi %add3A_35, %add3A_197 : i32
        %add3A_199 = arith.constant 4 : i32
        %add3A_200 = arith.addi %add3A_198, %add3A_199 : i32
        %mul3A_201 = arith.constant 16 : i32
        %mul3A_202 = arith.muli %add3A_200, %mul3A_201 : i32
        %dma_start3A_203 = tpu.memref_slice %arg5[%mul3A_202] : memref<2048xi32, #tpu.memory_space<vmem>> -> memref<16xi32, #tpu.memory_space<vmem>>
        %dma_start3A_204 = arith.constant 0 : i32
        %dma_start3A_205 = arith.constant 0 : i32
        %dma_start3A_206 = tpu.memref_slice %arg2[%dma_start3A_204, %dma_start3A_205] : memref<50265x1024xf32, #tpu.memory_space<hbm>> -> memref<50265x1024xf32, #tpu.memory_space<hbm>>
        tpu.enqueue_indirect_dma source(%dma_start3A_206 : memref<50265x1024xf32, #tpu.memory_space<hbm>>) target(%arg9 : memref<16x1024xf32, #tpu.memory_space<vmem>>) offsets(%dma_start3A_203 : memref<16xi32, #tpu.memory_space<vmem>>) semaphore(%arg14 : memref<!tpu.dma_semaphore, #tpu.memory_space<semaphore_mem>>)
      } else {
      }
      %add3A_174 = arith.constant 3 : i32
      %add3A_175 = arith.addi %add3A_35, %add3A_174 : i32
      %jit3A_176 = arith.constant 32 : i32
      %eq3A_177 = arith.constant 0 : i32
      %eq3A_178 = arith.cmpi eq, %jit3A_176, %eq3A_177 : i32
      %jit3A_179 = arith.constant 1 : i32
      %select_n3A_180 = arith.select %eq3A_178, %jit3A_179, %jit3A_176 : i32
      %rem3A_181 = arith.remsi %add3A_175, %select_n3A_180 : i32
      %ne3A_182 = arith.constant 0 : i32
      %ne3A_183 = arith.cmpi ne, %rem3A_181, %ne3A_182 : i32
      %lt3A_184 = arith.constant 0 : i32
      %lt3A_185 = arith.cmpi slt, %rem3A_181, %lt3A_184 : i32
      %lt3A_186 = arith.constant 0 : i32
      %lt3A_187 = arith.cmpi slt, %select_n3A_180, %lt3A_186 : i32
      %ne3A_188 = arith.xori %lt3A_185, %lt3A_187 : i1
      %and3A_189 = arith.andi %ne3A_188, %ne3A_183 : i1
      %add3A_190 = arith.addi %rem3A_181, %select_n3A_180 : i32
      %select_n3A_191 = arith.select %and3A_189, %add3A_190, %rem3A_181 : i32
      %eq3A_192 = arith.constant 31 : i32
      %eq3A_193 = arith.cmpi eq, %select_n3A_191, %eq3A_192 : i32
      %convert_element_type3A_194 = arith.extui %eq3A_193 : i1 to i32
      %cond3A_195 = arith.constant 0 : i32
      %cond3A_196 = arith.cmpi ne, %convert_element_type3A_194, %cond3A_195 : i32
      scf.if %cond3A_196 {
        %mul3A_197 = arith.constant 4 : i32
        %mul3A_198 = arith.muli %add3A, %mul3A_197 : i32
        %add3A_199 = arith.constant 3 : i32
        %add3A_200 = arith.addi %add3A_35, %add3A_199 : i32
        %jit3A_201 = arith.constant 32 : i32
        %div3A = arith.divsi %add3A_200, %jit3A_201 : i32
        %sign3A = arith.constant 0 : i32
        %sign3A_202 = arith.cmpi sgt, %add3A_200, %sign3A : i32
        %sign3A_203 = arith.extui %sign3A_202 : i1 to i32
        %sign3A_204 = arith.constant 0 : i32
        %sign3A_205 = arith.cmpi slt, %add3A_200, %sign3A_204 : i32
        %sign3A_206 = arith.extui %sign3A_205 : i1 to i32
        %sign3A_207 = arith.subi %sign3A_203, %sign3A_206 : i32
        %sign3A_208 = arith.constant 0 : i32
        %sign3A_209 = arith.cmpi sgt, %jit3A_201, %sign3A_208 : i32
        %sign3A_210 = arith.extui %sign3A_209 : i1 to i32
        %sign3A_211 = arith.constant 0 : i32
        %sign3A_212 = arith.cmpi slt, %jit3A_201, %sign3A_211 : i32
        %sign3A_213 = arith.extui %sign3A_212 : i1 to i32
        %sign3A_214 = arith.subi %sign3A_210, %sign3A_213 : i32
        %ne3A_215 = arith.cmpi ne, %sign3A_207, %sign3A_214 : i32
        %rem3A_216 = arith.remsi %add3A_200, %jit3A_201 : i32
        %ne3A_217 = arith.constant 0 : i32
        %ne3A_218 = arith.cmpi ne, %rem3A_216, %ne3A_217 : i32
        %and3A_219 = arith.andi %ne3A_215, %ne3A_218 : i1
        %sub3A = arith.constant 1 : i32
        %sub3A_220 = arith.subi %div3A, %sub3A : i32
        %select_n3A_221 = arith.select %and3A_219, %sub3A_220, %div3A : i32
        %add3A_222 = arith.addi %mul3A_198, %select_n3A_221 : i32
        "tpu.region"() ({
          %run_scoped3A = tpu.sem_alloc : memref<!tpu.dma_semaphore, #tpu.memory_space<semaphore_mem>>
          %dma_start3A_228 = arith.constant 0 : i32
          %dma_start3A_229 = tpu.memref_slice %arg4[%add3A_222, %dma_start3A_228] : memref<128x1024xf32, #tpu.memory_space<hbm>> -> memref<1x1024xf32, #tpu.memory_space<hbm>>
          %dma_start3A_230 = arith.constant 0 : i32
          %dma_start3A_231 = tpu.memref_slice %arg4[%add3A_222, %dma_start3A_230] : memref<128x1024xf32, #tpu.memory_space<hbm>> -> memref<1x1024xf32, #tpu.memory_space<hbm>>
          tpu.enqueue_dma source(%arg10 : memref<1x1024xf32, #tpu.memory_space<vmem>>) target(%dma_start3A_231 : memref<1x1024xf32, #tpu.memory_space<hbm>>) target_semaphore(%run_scoped3A : memref<!tpu.dma_semaphore, #tpu.memory_space<semaphore_mem>>)
          %dma_wait3A_232 = arith.constant 0 : i32
          %dma_wait3A_233 = tpu.memref_slice %arg4[%add3A_222, %dma_wait3A_232] : memref<128x1024xf32, #tpu.memory_space<hbm>> -> memref<1x1024xf32, #tpu.memory_space<hbm>>
          %dma_wait3A_234 = arith.constant 0 : i32
          %dma_wait3A_235 = tpu.memref_slice %arg4[%add3A_222, %dma_wait3A_234] : memref<128x1024xf32, #tpu.memory_space<hbm>> -> memref<1x1024xf32, #tpu.memory_space<hbm>>
          tpu.wait_dma2 semaphore(%run_scoped3A : memref<!tpu.dma_semaphore, #tpu.memory_space<semaphore_mem>>) src(%arg10 : memref<1x1024xf32, #tpu.memory_space<vmem>>) dst(%dma_wait3A_235 : memref<1x1024xf32, #tpu.memory_space<hbm>>)
          tpu.yield
        }) : () -> ()
        %scan3A_223 = arith.constant 0 : i32
        %scan3A_224 = arith.constant 64 : i32
        %scan3A_225 = arith.addi %scan3A_223, %scan3A_224 : i32
        %scan3A_226 = arith.constant 1 : i32
        scf.for %scan3A_228 = %scan3A_223 to %scan3A_225 step %scan3A_226  : i32 {
          %mul3A_229 = arith.constant 1 : i32
          %mul3A_230 = arith.muli %scan3A_228, %mul3A_229 : i32
          %add3A_231 = arith.constant 0 : i32
          %add3A_232 = arith.addi %add3A_231, %mul3A_230 : i32
          %mul3A_233 = arith.constant 16 : i32
          %mul3A_234 = arith.muli %add3A_232, %mul3A_233 : i32
          %broadcast_in_dim3A = arith.constant 0.000000e+00 : f32
          %broadcast_in_dim3A_235 = vector.broadcast %broadcast_in_dim3A : f32 to vector<16xf32>
          %swap3A = arith.constant 0 : i32
          %swap3A_236 = arith.index_cast %swap3A : i32 to index
          %swap3A_237 = arith.index_cast %mul3A_234 : i32 to index
          %swap3A_238 = tpu.vector_load %arg10[%swap3A_236, %swap3A_237] {strides = array<i32>} : memref<1x1024xf32, #tpu.memory_space<vmem>>, vector<1x16xf32>,
          %swap3A_239 = vector.shape_cast %swap3A_238 : vector<1x16xf32> to vector<16xf32>
          %swap3A_240 = vector.shape_cast %broadcast_in_dim3A_235 : vector<16xf32> to vector<1x16xf32>
          tpu.vector_store %arg10[%swap3A_236, %swap3A_237], %swap3A_240 {strides = array<i32>} : memref<1x1024xf32, #tpu.memory_space<vmem>>, vector<1x16xf32>,
        }
        %scan3A_227 = arith.constant 64 : i32
      } else {
      }
    }
    %scan3A_30 = arith.constant 32 : i32
    return
  }
}

module attributes {stable_mosaic.version = 14 : i64} {
  func.func @_mlp_body(%arg0: memref<128x1024xf32, #tpu.memory_space<vmem>>, %arg1: memref<1024x1024xf32, #tpu.memory_space<vmem>>, %arg2: memref<1x1024xf32, #tpu.memory_space<vmem>>, %arg3: memref<1024x1xf32, #tpu.memory_space<vmem>>, %arg4: memref<1x1xf32, #tpu.memory_space<vmem>>, %arg5: memref<128x1xf32, #tpu.memory_space<vmem>>) attributes {dimension_semantics = [], scalar_prefetch = 0 : i64, scratch_operands = 0 : i64, tpu.core_type = #tpu.core_type<tc>} {
    %get3A = arith.constant 0 : index
    %get3A_0 = arith.constant 0 : index
    %get3A_1 = vector.load %arg0[%get3A, %get3A_0] : memref<128x1024xf32, #tpu.memory_space<vmem>>, vector<128x1024xf32>
    %mul3A = arith.constant 0.001953125 : f32
    %mul3A_2 = vector.broadcast %mul3A : f32 to vector<128x1024xf32>
    %mul3A_3 = arith.mulf %get3A_1, %mul3A_2 : vector<128x1024xf32>
    %get3A_4 = arith.constant 0 : index
    %get3A_5 = arith.constant 0 : index
    %get3A_6 = vector.load %arg1[%get3A_4, %get3A_5] : memref<1024x1024xf32, #tpu.memory_space<vmem>>, vector<1024x1024xf32>
    %dot_general3A = arith.constant dense<0.000000e+00> : vector<128x1024xf32>
    %dot_general3A_7 = tpu.matmul %mul3A_3, %get3A_6, %dot_general3A {dimension_numbers = #tpu.dot_dimension_numbers<[1], [0], [0], [1], [0, 0, 1, 1], [], []>, transpose_lhs_hint = false} : vector<128x1024xf32>, vector<1024x1024xf32>, vector<128x1024xf32> -> vector<128x1024xf32>
    %get3A_8 = arith.constant 0 : index
    %get3A_9 = arith.constant 0 : index
    %get3A_10 = vector.load %arg2[%get3A_8, %get3A_9] : memref<1x1024xf32, #tpu.memory_space<vmem>>, vector<1x1024xf32>
    %add3A = vector.broadcast %get3A_10 : vector<1x1024xf32> to vector<128x1024xf32>
    %add3A_11 = arith.addf %dot_general3A_7, %add3A : vector<128x1024xf32>
    %max3A = arith.constant 0.000000e+00 : f32
    %max3A_12 = vector.broadcast %max3A : f32 to vector<128x1024xf32>
    %max3A_13 = arith.maximumf %add3A_11, %max3A_12 : vector<128x1024xf32>
    %get3A_14 = arith.constant 0 : index
    %get3A_15 = arith.constant 0 : index
    %get3A_16 = vector.load %arg3[%get3A_14, %get3A_15] : memref<1024x1xf32, #tpu.memory_space<vmem>>, vector<1024x1xf32>
    %dot_general3A_17 = arith.constant dense<0.000000e+00> : vector<128x1xf32>
    %dot_general3A_18 = tpu.matmul %max3A_13, %get3A_16, %dot_general3A_17 {dimension_numbers = #tpu.dot_dimension_numbers<[1], [0], [0], [1], [0, 0, 1, 1], [], []>, transpose_lhs_hint = false} : vector<128x1024xf32>, vector<1024x1xf32>, vector<128x1xf32> -> vector<128x1xf32>
    %get3A_19 = arith.constant 0 : index
    %get3A_20 = arith.constant 0 : index
    %get3A_21 = vector.load %arg4[%get3A_19, %get3A_20] : memref<1x1xf32, #tpu.memory_space<vmem>>, vector<1x1xf32>
    %add3A_22 = vector.broadcast %get3A_21 : vector<1x1xf32> to vector<128x1xf32>
    %add3A_23 = arith.addf %dot_general3A_18, %add3A_22 : vector<128x1xf32>
    %swap3A = arith.constant 0 : index
    %swap3A_24 = arith.constant 0 : index
    %swap3A_25 = vector.load %arg5[%swap3A, %swap3A_24] : memref<128x1xf32, #tpu.memory_space<vmem>>, vector<128x1xf32>
    tpu.vector_store %arg5[%swap3A, %swap3A_24], %add3A_23 {strides = array<i32>} : memref<128x1xf32, #tpu.memory_space<vmem>>, vector<128x1xf32>,
    return
  }
}

</mosaic_0001>

<sc_bundles>
// kernel: kernel.4.cloned.1.call-start
scs
__scs_entry_jumppad:
0x0: {  	(pc) =	sbr.rel $0x88, $3  }
0x1: {  	(tag) =	ssettag $0x0;
	lr =	simm.s32 $0x1  }
0x2: {  	[smem:$0x3F9B] =	sst lr;
	_ =	strace $0xD0000000  }
0x3: {  	_ = 	snop  }
0x4: {  	_ = 	snop  }
0x5: {  	_ = 	snop  }
0x6: {  	_ = 	snop  }
0x7: {  	_ = 	snop  }
__scs_overlays_trampoline_lowered:
0x8: {  	[smem:$0x3FAA] =	sst s0  }
0x9: {  	[smem:$0x3FAB] =	sst s1  }
0xa: {  	[smem:$0x3FAC] =	sst s2  }
0xb: {  	[smem:$0x3FAD] =	sst s3  }
0xc: {  	[smem:$0x3FAE] =	sst s4  }
0xd: {  	[smem:$0x3FAF] =	sst s5  }
0xe: {  	[smem:$0x3FB0] =	sst s6  }
0xf: {  	[smem:$0x3FB1] =	sst s7  }
0x10: {  	[smem:$0x3FB2] =	sst s8  }
0x11: {  	[smem:$0x3FB3] =	sst s9;
	s0 =	simm.s32 @!p0 $0x0  }
0x12: {  	s1 =	sld [smem:$0x3F99];
	s0 =	simm.s32 @p0 $0x1  }
0x13: {  	[smem:$0x3FB4] =	sst s0;
	s0 =	simm.s32 @!p1 $0x0  }
0x14: {  	s2 =	sld [smem:$0x3F98];
	s0 =	simm.s32 @p1 $0x1  }
0x15: {  	[smem:$0x3FB5] =	sst s0;
	s0 =	simm.s32 @!p2 $0x0  }
0x16: {  	s3 =	sld [smem:$0x3FDB];
	s0 =	simm.s32 @p2 $0x1  }
0x17: {  	s4 =	simm.s32 $0x1BF5;
	[smem:$0x3FB7] =	sst s0  }
0x18: {  	s0 =	sld [smem:$0x3F9A];
	_ =	swait.ge [sflag:s4], $0x0  }
0x19: {  	s7 =	sld [smem:$0x3F9B]  }
0x1a: {  	s8 =	sadd.s32 $0xFFFFE003, lr  }
0x1b: {  	s9 =	sadd.s32 $0xFFFFFEF7, lr;
	s5 =	simm.s32 $0xFFFFFFFF;
	p2 =	slt.u32 s8, $0xFFFFF086  }
0x1c: {  	p1 =	slt.u32 s9, $0xF7A;
	s5 =	simm.s32 @!p2 $0x0  }
0x1d: {  	s5 =	simm.s32 @p1 $0x1;
	p0 =	seq.s32 s7, s2  }
0x1e: {  	s7 =	smul.u32 @!p0 $0xF7A, s2;
	p2 =	seq.s32 @!p0 s5, $0x0  }
0x1f: {  	s9 =	smul.u32 $0xF7A, s1;
	s8 =	simm.s32 @!p0 $0x1BF5;
	p2 =	por !p2, p0  }
0x20: {  	[sflag:s8] =	ssyncset.s32 @!p0 $0xFFFFF086;
	s6 =	sadd.s32 @!p0 s3, s7;
	s7 =	simm.s32 @!p0 $0x108  }
0x21: {  	s3 =	sadd.s32 s3, s9;
	s6 =	sadd.s32 @!p0 $0x88, s6;
	s7 =	simm.s32 @p2 $0x1082  }
0x22: {  	[simem:s7], [sflag:s8] =	dma.local @!p0 [hbm:s6], $0xF7A  }
0x23: {  	s9 =	sor.u32 $0xD0000000, s2;
	s6 =	simm.s32 $0x108;
	_ =	swait.ge @!p0 [sflag:s8], $0x0  }
0x24: {  	s3 =	sadd.s32 $0x88, s3;
	s6 =	simm.s32 @!p1 $0x1082;
	[sflag:s4] =	ssyncset.s32 $0xFFFFF086  }
0x25: {  	[simem:s6], [sflag:s4] =	dma.local [hbm:s3], $0xF7A  }
0x26: {  	[smem:$0x3F9B] =	sst s1;
	(tag) =	ssettag s2;
	_ =	strace s9  }
0x27: {  	s1 =	sld [smem:$0x3FAB]  }
0x28: {  	s2 =	sld [smem:$0x3FAC]  }
0x29: {  	s4 =	sld [smem:$0x3FAE]  }
0x2a: {  	p0 =	seq.s32 s5, $0x0;
	s5 =	sld [smem:$0x3FAF]  }
0x2b: {  	s6 =	sld [smem:$0x3FB0]  }
0x2c: {  	s7 =	sld [smem:$0x3FB1]  }
0x2d: {  	s3 =	simm.s32 $0x108;
	s8 =	sld [smem:$0x3FB2]  }
0x2e: {  	s3 =	simm.s32 @!p0 $0x1082;
	s9 =	sld [smem:$0x3FB3]  }
0x2f: {  	lr =	sadd.s32 s0, s3;
	s0 =	sld [smem:$0x3FAA]  }
0x30: {  	s3 =	sld [smem:$0x3FAD]  }
0x31: {  	[smem:$0x3FB6] =	sst s10  }
0x32: {  	s10 =	sld [smem:$0x3FB4];
	_ =	sdelay $0x3  }
0x33: {  	p0 =	seq.s32 s10, $0x1;
	s10 =	sld [smem:$0x3FB6];
	_ =	sdelay $0x3  }
0x34: {  	[smem:$0x3FB6] =	sst s10  }
0x35: {  	s10 =	sld [smem:$0x3FB5];
	_ =	sdelay $0x3  }
0x36: {  	p1 =	seq.s32 s10, $0x1;
	s10 =	sld [smem:$0x3FB6];
	_ =	sdelay $0x3  }
0x37: {  	[smem:$0x3FB6] =	sst s10  }
0x38: {  	s10 =	sld [smem:$0x3FB7]  }
0x39: {  	_ = 	snop;
	(pc) =	sbr.ind lr, $3  }
0x3a: {  	_ = 	snop  }
0x3b: {  	_ = 	snop  }
0x3c: {  	p2 =	seq.s32 s10, $0x1;
	s10 =	sld [smem:$0x3FB6]  }
0x3d: {  	_ =	shalt  }
0x3e: {  	_ =	shalt  }
0x3f: {  	_ =	shalt  }
0x40: {  	_ =	shalt  }
0x41: {  	_ =	shalt  }
0x42: {  	_ =	shalt  }
0x43: {  	_ =	shalt  }
0x44: {  	_ =	shalt  }
0x45: {  	_ =	shalt  }
0x46: {  	_ =	shalt  }
0x47: {  	_ =	shalt  }
0x48: {  	_ =	shalt  }
0x49: {  	_ =	shalt  }
0x4a: {  	_ =	shalt  }
0x4b: {  	_ =	shalt  }
0x4c: {  	_ =	shalt  }
0x4d: {  	_ =	shalt  }
0x4e: {  	_ =	shalt  }
0x4f: {  	_ =	shalt  }
0x50: {  	_ =	shalt  }
0x51: {  	_ =	shalt  }
0x52: {  	_ =	shalt  }
0x53: {  	_ =	shalt  }
0x54: {  	_ =	shalt  }
0x55: {  	_ =	shalt  }
0x56: {  	_ =	shalt  }
0x57: {  	_ =	shalt  }
0x58: {  	_ =	shalt  }
0x59: {  	_ =	shalt  }
0x5a: {  	_ =	shalt  }
0x5b: {  	_ =	shalt  }
0x5c: {  	_ =	shalt  }
0x5d: {  	_ =	shalt  }
0x5e: {  	_ =	shalt  }
0x5f: {  	_ =	shalt  }
0x60: {  	_ =	shalt  }
0x61: {  	_ =	shalt  }
0x62: {  	_ =	shalt  }
0x63: {  	_ =	shalt  }
0x64: {  	_ =	shalt  }
0x65: {  	_ =	shalt  }
0x66: {  	_ =	shalt  }
0x67: {  	_ =	shalt  }
0x68: {  	_ =	shalt  }
0x69: {  	_ =	shalt  }
0x6a: {  	_ =	shalt  }
0x6b: {  	_ =	shalt  }
0x6c: {  	_ =	shalt  }
0x6d: {  	_ =	shalt  }
0x6e: {  	_ =	shalt  }
0x6f: {  	_ =	shalt  }
0x70: {  	_ =	shalt  }
0x71: {  	_ =	shalt  }
0x72: {  	_ =	shalt  }
0x73: {  	_ =	shalt  }
0x74: {  	_ =	shalt  }
0x75: {  	_ =	shalt  }
0x76: {  	_ =	shalt  }
0x77: {  	_ =	shalt  }
0x78: {  	_ =	shalt  }
0x79: {  	_ =	shalt  }
0x7a: {  	_ =	shalt  }
0x7b: {  	_ =	shalt  }
0x7c: {  	_ =	shalt  }
0x7d: {  	_ =	shalt  }
0x7e: {  	_ =	shalt  }
0x7f: {  	_ =	shalt  }
0x80: {  	_ =	shalt  }
0x81: {  	_ =	shalt  }
0x82: {  	_ =	shalt  }
0x83: {  	_ =	shalt  }
0x84: {  	_ =	shalt  }
0x85: {  	_ =	shalt  }
0x86: {  	_ =	shalt  }
0x87: {  	_ =	shalt  }
.Lfunc_end0:
.L_simem_size_0:
called_computation_lowered:
.L_overlay_start_0:
0x88: {  	s2 =	sld [smem:$0x3FD9]  }
0x89: {  	s3 =	sld [smem:$0x3FFE];
	_ =	sdelay $0x1  }
0x8a: {  	s1 =	srdreg.scid  }
0x8b: {  	s0 =	sand.u32 $0x1, s1  }
0x8c: {  	s17 =	sshll.u32 s0, $0xA;
	s2 =	sadd.s32 s3, s2  }
0x8d: {  	s2 =	sadd.s32 s2, s17  }
0x8e: {  	[smem:$0x3FC2] =	sst s2  }
0x8f: {  	_ = 	snop  }
0x90: {  	s2 =	sld [smem:$0x3FC8];
	(tm) =	ssettm $0x1  }
0x91: {  	s18 =	sld [smem:$0x3FFB];
	_ =	sdelay $0x3  }
0x92: {  	_ =	strace s18  }
0x93: {  	s3 =	sld [smem:$0x3FFC];
	_ =	sdelay $0x3  }
0x94: {  	_ =	strace s3  }
0x95: {  	s3 =	sld [smem:$0x3FFD];
	_ =	sdelay $0x3  }
0x96: {  	_ =	strace s3  }
0x97: {  	_ =	strace $0x8FFFFFFF  }
0x98: {  	s19 =	sld [smem:$0x3FDB];
	_ =	sdelay $0x1  }
0x99: {  	s4 =	simm.s32 $_scs_section_size  }
0x9a: {  	s5 =	simm.s32 $_size__tile_overlayer_lowered;
	s6 =	simm.s32 $_tile_overlayer_lowered  }
0x9b: {  	s22 =	simm.s32 $0x1BFF;
	s21 =	sshll.u32 s6, $0x1;
	s3 =	sadd.s32 s4, s19  }
0x9c: {  	s7 =	simm.s32 $0x0;
	s20 =	sshll.u32 s5, $0x1;
	s5 =	sadd.s32 s21, s3  }
0x9d: {  	[timem:s7], [sflag:s22] =	dma.local [hbm:s5], s20  }
0x9e: {  	_ =	swait.ge [sflag:s22], s20  }
0x9f: {  	s4 =	ssub.s32 $0x0, s20;
	[sflag:s22] =	ssyncset.done $0x0  }
0xa0: {  	[sflag:s22] =	ssyncadd.s32 s4;
	_ =	sdelay $0x1  }
0xa1: {  	s23 =	simm.s32 $0x1B8B  }
0xa2: {  	_ =	swait.ge [sflag:s23], $0x1  }
0xa3: {  	[sflag:s23] =	ssyncset.done $0x0  }
0xa4: {  	s25 =	simm.s32 $0x1B8E;
	s24 =	sld [smem:$0x3FFE];
	[sflag:s23] =	ssyncadd.s32 $0xFFFFFFFF  }
0xa5: {  	s26 =	simm.s32 $execute0_lowered;
	[smem:$0x3FD2] =	sst s25  }
0xa6: {  	s5 =	sshll.u32 s26, $0x1;
	_ =	strace $0x80000046;
	[dreg:$0x1] =	wrdreg $0xFFFFFFFF  }
0xa7: {  	s28 =	simm.s32 $_size_execute0_lowered;
	s3 =	sadd.s32 s3, s5;
	[dreg:$0x0] =	wrdreg $0x0  }
0xa8: {  	s5 =	sshll.u32 s28, $0x1;
	[dreg:$0x2] =	wrdreg s3  }
0xa9: {  	[dreg:$0x3] =	wrdreg s5  }
0xaa: {  	[dreg:$0x4] =	wrdreg $0xC0  }
0xab: {  	_ =	task [dreg:s7], $0x5FFFF  }
0xac: {  	[dreg:$0x1] =	wrdreg $0xFFFFFFFF  }
0xad: {  	[dreg:$0x0] =	wrdreg $0x60  }
0xae: {  	[dreg:$0x2] =	wrdreg s2  }
0xaf: {  	[dreg:$0x3] =	wrdreg s24  }
0xb0: {  	[dreg:$0x4] =	wrdreg $0x9  }
0xb1: {  	_ =	task.clear_ibuf [dreg:s7], $0x5FFFF;
	_ =	strace $0x90000046  }
0xb2: {  	s29 =	simm.s32 $0x9;
	_ =	strace $0x80000048  }
0xb3: {  	_ =	swait.ge [sflag:s29], $0x1  }
0xb4: {  	[sflag:s29] =	ssyncadd.s32 $0xFFFFFFFF  }
0xb5: {  	_ =	strace $0x90000048  }
0xb6: {  	_ =	sfence  }
0xb7: {  	s30 =	sld [smem:$0x0];
	_ =	sdelay $0x2  }
0xb8: {  	s31 =	sshll.u32 s1, $0xD;
	s1 =	sshrl.u32 s1, $0x2  }
0xb9: {  	s3 =	sand.u32 $0x4000, s31;
	s1 =	sadd.s32 s1, s30  }
0xba: {  	s0 =	sor.u32 s3, s0;
	s1 =	sshll.u32 s1, $0x11  }
0xbb: {  	s0 =	sor.u32 s1, s0  }
0xbc: {  	s0 =	sadd.s32 $0x8F2B, s0  }
0xbd: {  	[sflag:s0] =	ssyncadd.remote.s32 $0x1  }
0xbe: {  	_ =	sfence.sel $0xFFFF  }
0xbf: {  	[dreg:$0x0] =	wrdreg $0xFFFFFFFF;
	(pc) =	sbr.abs _section_cstart, $3  }
0xc0: {  	[dreg:$0x1] =	wrdreg $0xFFFFFFFF  }
0xc1: {  	_ =	task.clear_ibuf [dreg:s7], $0x2FFFF;
	_ =	strace $0x9FFFFFFF  }
0xc2: {  	(tm) =	ssettm $0x7FFFFFFF  }
0xc3: {  	_ =	shalt  }
tec
execute0_lowered:
.L_overlay_start_1:
0x0: {  	(tag) =	ssettag $0x1  }
0x1: {  	s1 =	rddreg [dreg:$0x0]  }
0x2: {  	s0 =	rddreg [dreg:$0x1];
	s2 =	srdreg.scid  }
0x3: {  	s3 =	simm.s32 $0x0;
	s6 =	stileid.u32;
	s10 =	simm.s32 $0x5  }
0x4: {  	s15 =	simm.s32 $0xD800;
	s16 =	simm.s32 $0xE800;
	s17 =	simm.s32 $0xF000  }
0x5: {  	s18 =	simm.s32 $0xF800;
	s19 =	simm.s32 $0x10000;
	s20 =	simm.s32 $0x1  }
0x6: {  	s21 =	simm.s32 $0x2;
	s22 =	simm.s32 $0x3;
	s23 =	simm.s32 $0x4  }
0x7: {  	s24 =	simm.s32 $0x80;
	s25 =	simm.s32 $0x400;
	s26 =	simm.s32 $0x10800  }
0x8: {  	s28 =	simm.s32 $0x0;
	s29 =	simm.s32 $0x0;
	s2 =	sand.u32 $0x1, s2  }
0x9: {  	[smem:$0x7FF] =	sst s3;
	s5 =	sshll.u32 s6, $0x9;
	s6 =	sshll.u32 s6, $0xA  }
0xa: {  	s7 =	sadd.s32 $0x300, s1;
	s30 =	sshll.u32 s2, $0x8;
	_ =	strace $0x80000047  }
.Ltmp0:
0xb: {  	s4 =	sshll.u32 s2, $0x6;
	s2 =	ssub.s32 $0x2, s2;
	(pc) =	sbr.rel .LBB2_1-.Ltmp0, $4  }
0xc: {  	s3 =	sadd.s32 s30, s0;
	s0 =	sadd.s32 s4, s0;
	s31 =	sshrl.u32 s2, $0x1  }
0xd: {  	v3 =	vlaneseq.u32;
	s2 =	ssub.s32 s2, s31;
	s3 =	sadd.s32 s5, s3;
	s5 =	sadd.s32 $0x100, s1  }
0xe: {  	v0 =	vimm.f32 $0.0e+00;
	vm0 =	vmmov $0xffff;
	v2 =	vshrl.u32 v3, $0x3;
	s0 =	sadd.s32 s6, s0;
	s6 =	sadd.s32 $0x200, s1;
	s4 =	sadd.s32 $0x800, s3  }
0xf: {  	v1 =	vand.u32 $0x7, v3;
	v3 =	vor.u32 $0x8, v3;
	v2 =	vmul.u32 $0x8, v2;
	s8 =	sadd.s32 $0x2800, s0;
	s9 =	smax.u32 s2, $0x1;
	s2 =	simm.s32 $0xE000  }
.LBB2_17:
0x10: {  	s28 =	sadd.s32 $0x1, s28  }
0x11: {  	p0 =	sne.s32 s28, s9  }
.Ltmp1:
0x12: {  	_ = 	snop;
	(pc) =	sbr.rel @!p0 .LBB2_18-.Ltmp1, $1  }
0x13: {  	_ =	sdelay $0x3  }
.LBB2_1:
0x14: {  	s0 =	simm.s32 $0x0  }
0x15: {  	[tilespmem:s0], [sflag:$0x5] =	stream.linear.gather [hbm4b:s4+s0], $0x800, $0x38;
	[tilespmem:$0x10C00] =	vst v63  }
0x16: {  	_ =	swait.ge [sflag:s10], $0x800  }
0x17: {  	[sflag:s10] =	ssyncset.done $0x0  }
0x18: {  	s3 =	simm.s32 $0x0;
	s0 =	simm.s32 $0x40;
	[sflag:s10] =	ssyncadd.s32 $0xFFFFF800  }
.LBB2_2:
0x19: {  	p0 =	sne.s32 s0, $0xFC0;
	[tilespmem:s3+$0x10800] =	vst v0;
	s3 =	smov.u32 s0;
	s0 =	sadd.s32 $0x40, s0  }
.Ltmp2:
0x1a: {  	(pc) =	sbr.rel @p0 .LBB2_2-.Ltmp2, $2  }
0x1b: {  	_ =	sdelay $0x2  }
0x1c: {  	s3 =	sshra.s32 s3, $0x2  }
0x1d: {  	[tilespmem:s3+$0x10800] =	vst v0  }
0x1e: {  	v4 =	vld [tilespmem:$0x0];
	_ =	sdelay $0x4  }
0x1f: {  	v5 =	vshll.u32 v4, $0x3  }
0x20: {  	v4 =	vand.u32 $0x7, v4;
	v5 =	vand.u32 $0xFFFFFFC0, v5  }
0x21: {  	v4 =	vor.u32 v4, v5  }
0x22: {  	v5 =	vperm.xlane v4, v1;
	_ =	sdelay $0x1  }
0x23: {  	v5 =	vadd.s32 v2, v5;
	_ =	sdelay $0x3  }
0x24: {  	s0 =	simm.s32 $0x800  }
0x25: {  	[tilespmem:s0], [sflag:$0x1] =	stream.indirect_vreg.gather [hbm4b:s1+s29], $0x80, v5, vm0, $0xb8;
	[tilespmem:$0x10C00] =	vst v63  }
0x26: {  	s31 =	simm.s32 $0x1000;
	v4 =	vperm.xlane v4, v3  }
0x27: {  	[tilespmem:s31], [sflag:$0x1] =	stream.indirect_vreg.gather [hbm4b:s5+s29], $0x80, v5, vm0, $0xb8;
	[tilespmem:$0x10C00] =	vst v63  }
0x28: {  	s3 =	simm.s32 $0x1800;
	v4 =	vadd.s32 v2, v4  }
0x29: {  	[tilespmem:s3], [sflag:$0x1] =	stream.indirect_vreg.gather [hbm4b:s6+s29], $0x80, v5, vm0, $0xb8;
	[tilespmem:$0x10C00] =	vst v63  }
0x2a: {  	s11 =	simm.s32 $0x2000  }
0x2b: {  	[tilespmem:s11], [sflag:$0x1] =	stream.indirect_vreg.gather [hbm4b:s7+s29], $0x80, v5, vm0, $0xb8;
	[tilespmem:$0x10C00] =	vst v63  }
0x2c: {  	s12 =	simm.s32 $0x2800  }
0x2d: {  	[tilespmem:s12], [sflag:$0x1] =	stream.indirect_vreg.gather [hbm4b:s1+s29], $0x80, v4, vm0, $0xb8;
	[tilespmem:$0x10C00] =	vst v63  }
0x2e: {  	s13 =	simm.s32 $0x3000  }
0x2f: {  	[tilespmem:s13], [sflag:$0x1] =	stream.indirect_vreg.gather [hbm4b:s5+s29], $0x80, v4, vm0, $0xb8;
	[tilespmem:$0x10C00] =	vst v63  }
0x30: {  	s14 =	simm.s32 $0x3800  }
0x31: {  	[tilespmem:s14], [sflag:$0x1] =	stream.indirect_vreg.gather [hbm4b:s6+s29], $0x80, v4, vm0, $0xb8;
	[tilespmem:$0x10C00] =	vst v63  }
0x32: {  	s31 =	simm.s32 $0x4000  }
0x33: {  	[tilespmem:s31], [sflag:$0x1] =	stream.indirect_vreg.gather [hbm4b:s7+s29], $0x80, v4, vm0, $0xb8;
	[tilespmem:$0x10C00] =	vst v63  }
0x34: {  	v4 =	vld [tilespmem:$0x10];
	_ =	sdelay $0x4  }
0x35: {  	v5 =	vshll.u32 v4, $0x3  }
0x36: {  	v4 =	vand.u32 $0x7, v4;
	v5 =	vand.u32 $0xFFFFFFC0, v5  }
0x37: {  	v4 =	vor.u32 v4, v5  }
0x38: {  	v5 =	vperm.xlane v4, v1;
	_ =	sdelay $0x1  }
0x39: {  	v5 =	vadd.s32 v2, v5;
	_ =	sdelay $0x3  }
0x3a: {  	s3 =	simm.s32 $0x4800  }
0x3b: {  	[tilespmem:s3], [sflag:$0x2] =	stream.indirect_vreg.gather [hbm4b:s1+s29], $0x80, v5, vm0, $0xb8;
	[tilespmem:$0x10C00] =	vst v63  }
0x3c: {  	s11 =	simm.s32 $0x5000;
	v4 =	vperm.xlane v4, v3  }
0x3d: {  	[tilespmem:s11], [sflag:$0x2] =	stream.indirect_vreg.gather [hbm4b:s5+s29], $0x80, v5, vm0, $0xb8;
	[tilespmem:$0x10C00] =	vst v63  }
0x3e: {  	s12 =	simm.s32 $0x5800;
	v4 =	vadd.s32 v2, v4  }
0x3f: {  	[tilespmem:s12], [sflag:$0x2] =	stream.indirect_vreg.gather [hbm4b:s6+s29], $0x80, v5, vm0, $0xb8;
	[tilespmem:$0x10C00] =	vst v63  }
0x40: {  	s13 =	simm.s32 $0x6000  }
0x41: {  	[tilespmem:s13], [sflag:$0x2] =	stream.indirect_vreg.gather [hbm4b:s7+s29], $0x80, v5, vm0, $0xb8;
	[tilespmem:$0x10C00] =	vst v63  }
0x42: {  	s14 =	simm.s32 $0x6800  }
0x43: {  	[tilespmem:s14], [sflag:$0x2] =	stream.indirect_vreg.gather [hbm4b:s1+s29], $0x80, v4, vm0, $0xb8;
	[tilespmem:$0x10C00] =	vst v63  }
0x44: {  	s31 =	simm.s32 $0x7000  }
0x45: {  	[tilespmem:s31], [sflag:$0x2] =	stream.indirect_vreg.gather [hbm4b:s5+s29], $0x80, v4, vm0, $0xb8;
	[tilespmem:$0x10C00] =	vst v63  }
0x46: {  	s3 =	simm.s32 $0x7800  }
0x47: {  	[tilespmem:s3], [sflag:$0x2] =	stream.indirect_vreg.gather [hbm4b:s6+s29], $0x80, v4, vm0, $0xb8;
	[tilespmem:$0x10C00] =	vst v63  }
0x48: {  	s11 =	simm.s32 $0x8000  }
0x49: {  	[tilespmem:s11], [sflag:$0x2] =	stream.indirect_vreg.gather [hbm4b:s7+s29], $0x80, v4, vm0, $0xb8;
	[tilespmem:$0x10C00] =	vst v63  }
0x4a: {  	v4 =	vld [tilespmem:$0x20];
	_ =	sdelay $0x4  }
0x4b: {  	v5 =	vshll.u32 v4, $0x3  }
0x4c: {  	v4 =	vand.u32 $0x7, v4;
	v5 =	vand.u32 $0xFFFFFFC0, v5  }
0x4d: {  	v4 =	vor.u32 v4, v5  }
0x4e: {  	v5 =	vperm.xlane v4, v1;
	_ =	sdelay $0x1  }
0x4f: {  	v5 =	vadd.s32 v2, v5;
	_ =	sdelay $0x3  }
0x50: {  	s12 =	simm.s32 $0x8800  }
0x51: {  	[tilespmem:s12], [sflag:$0x3] =	stream.indirect_vreg.gather [hbm4b:s1+s29], $0x80, v5, vm0, $0xb8;
	[tilespmem:$0x10C00] =	vst v63  }
0x52: {  	s13 =	simm.s32 $0x9000;
	v4 =	vperm.xlane v4, v3  }
0x53: {  	[tilespmem:s13], [sflag:$0x3] =	stream.indirect_vreg.gather [hbm4b:s5+s29], $0x80, v5, vm0, $0xb8;
	[tilespmem:$0x10C00] =	vst v63  }
0x54: {  	s14 =	simm.s32 $0x9800;
	v4 =	vadd.s32 v2, v4  }
0x55: {  	[tilespmem:s14], [sflag:$0x3] =	stream.indirect_vreg.gather [hbm4b:s6+s29], $0x80, v5, vm0, $0xb8;
	[tilespmem:$0x10C00] =	vst v63  }
0x56: {  	s31 =	simm.s32 $0xA000  }
0x57: {  	[tilespmem:s31], [sflag:$0x3] =	stream.indirect_vreg.gather [hbm4b:s7+s29], $0x80, v5, vm0, $0xb8;
	[tilespmem:$0x10C00] =	vst v63  }
0x58: {  	s3 =	simm.s32 $0xA800  }
0x59: {  	[tilespmem:s3], [sflag:$0x3] =	stream.indirect_vreg.gather [hbm4b:s1+s29], $0x80, v4, vm0, $0xb8;
	[tilespmem:$0x10C00] =	vst v63  }
0x5a: {  	s11 =	simm.s32 $0xB000  }
0x5b: {  	[tilespmem:s11], [sflag:$0x3] =	stream.indirect_vreg.gather [hbm4b:s5+s29], $0x80, v4, vm0, $0xb8;
	[tilespmem:$0x10C00] =	vst v63  }
0x5c: {  	s12 =	simm.s32 $0xB800  }
0x5d: {  	[tilespmem:s12], [sflag:$0x3] =	stream.indirect_vreg.gather [hbm4b:s6+s29], $0x80, v4, vm0, $0xb8;
	[tilespmem:$0x10C00] =	vst v63  }
0x5e: {  	s13 =	simm.s32 $0xC000  }
0x5f: {  	[tilespmem:s13], [sflag:$0x3] =	stream.indirect_vreg.gather [hbm4b:s7+s29], $0x80, v4, vm0, $0xb8;
	[tilespmem:$0x10C00] =	vst v63  }
0x60: {  	v4 =	vld [tilespmem:$0x30];
	_ =	sdelay $0x4  }
0x61: {  	v5 =	vshll.u32 v4, $0x3  }
0x62: {  	v4 =	vand.u32 $0x7, v4;
	v5 =	vand.u32 $0xFFFFFFC0, v5  }
0x63: {  	v4 =	vor.u32 v4, v5  }
0x64: {  	v5 =	vperm.xlane v4, v1;
	_ =	sdelay $0x1  }
0x65: {  	v5 =	vadd.s32 v2, v5;
	_ =	sdelay $0x3  }
0x66: {  	s14 =	simm.s32 $0xC800  }
0x67: {  	[tilespmem:s14], [sflag:$0x4] =	stream.indirect_vreg.gather [hbm4b:s1+s29], $0x80, v5, vm0, $0xb8;
	[tilespmem:$0x10C00] =	vst v63  }
0x68: {  	s31 =	simm.s32 $0xD000;
	v4 =	vperm.xlane v4, v3  }
0x69: {  	[tilespmem:s31], [sflag:$0x4] =	stream.indirect_vreg.gather [hbm4b:s5+s29], $0x80, v5, vm0, $0xb8;
	[tilespmem:$0x10C00] =	vst v63  }
0x6a: {  	v4 =	vadd.s32 v2, v4  }
0x6b: {  	[tilespmem:s15], [sflag:$0x4] =	stream.indirect_vreg.gather [hbm4b:s6+s29], $0x80, v5, vm0, $0xb8;
	[tilespmem:$0x10C00] =	vst v63  }
0x6c: {  	_ = 	snop  }
0x6d: {  	[tilespmem:s2], [sflag:$0x4] =	stream.indirect_vreg.gather [hbm4b:s7+s29], $0x80, v5, vm0, $0xb8;
	[tilespmem:$0x10C00] =	vst v63  }
0x6e: {  	_ = 	snop  }
0x6f: {  	[tilespmem:s16], [sflag:$0x4] =	stream.indirect_vreg.gather [hbm4b:s1+s29], $0x80, v4, vm0, $0xb8;
	[tilespmem:$0x10C00] =	vst v63  }
0x70: {  	_ = 	snop  }
0x71: {  	[tilespmem:s17], [sflag:$0x4] =	stream.indirect_vreg.gather [hbm4b:s5+s29], $0x80, v4, vm0, $0xb8;
	[tilespmem:$0x10C00] =	vst v63  }
.Ltmp3:
0x72: {  	_ = 	snop;
	(pc) =	sbr.rel .LBB2_4-.Ltmp3, $4  }
0x73: {  	_ = 	snop  }
0x74: {  	[tilespmem:s18], [sflag:$0x4] =	stream.indirect_vreg.gather [hbm4b:s6+s29], $0x80, v4, vm0, $0xb8;
	[tilespmem:$0x10C00] =	vst v63  }
0x75: {  	s30 =	simm.s32 $0x0  }
0x76: {  	[tilespmem:s19], [sflag:$0x4] =	stream.indirect_vreg.gather [hbm4b:s7+s29], $0x80, v4, vm0, $0xb8;
	[tilespmem:$0x10C00] =	vst v63  }
.LBB2_16:
0x77: {  	s30 =	sadd.s32 $0x1, s30  }
0x78: {  	p0 =	sne.s32 s30, $0x20  }
.Ltmp4:
0x79: {  	_ = 	snop;
	(pc) =	sbr.rel @!p0 .LBB2_17-.Ltmp4, $1  }
0x7a: {  	_ =	sdelay $0x3  }
.LBB2_4:
0x7b: {  	_ =	swait.ge [sflag:s20], $0x4000  }
0x7c: {  	s0 =	sand.u32 $0x70, s29;
	s3 =	sand.u32 $0x1C00, s29;
	[sflag:s20] =	ssyncset.done $0x0  }
0x7d: {  	s0 =	sor.u32 s0, s3;
	[sflag:s20] =	ssyncadd.s32 $0xFFFFC000  }
0x7e: {  	v5 =	vld [tilespmem:s0+$0x800]  }
0x7f: {  	v6 =	vld [tilespmem:s0+$0x880]  }
0x80: {  	v7 =	vld [tilespmem:s0+$0x900]  }
0x81: {  	v9 =	vld [tilespmem:s0+$0x980]  }
0x82: {  	v10 =	vld [tilespmem:s0+$0xA00]  }
0x83: {  	v11 =	vld [tilespmem:s0+$0xA80]  }
0x84: {  	v12 =	vld [tilespmem:s0+$0xB00]  }
0x85: {  	v13 =	vld [tilespmem:s0+$0xB80]  }
0x86: {  	v14 =	vld [tilespmem:s0+$0x2800]  }
0x87: {  	v15 =	vld [tilespmem:s0+$0x2880]  }
0x88: {  	v16 =	vld [tilespmem:s0+$0x2900]  }
0x89: {  	v17 =	vld [tilespmem:s0+$0x2980]  }
0x8a: {  	v18 =	vld [tilespmem:s0+$0x2A00]  }
0x8b: {  	s14 =	simm.s32 $0x80;
	s11 =	simm.s32 $0x10;
	v19 =	vld [tilespmem:s0+$0x2A80]  }
0x8c: {  	s11 =	sand.u32 $0x70, s11;
	s3 =	sand.u32 $0x1C00, s14;
	v20 =	vld [tilespmem:s0+$0x2B00]  }
0x8d: {  	s31 =	sor.u32 s11, s3;
	v21 =	vld [tilespmem:s0+$0x2B80]  }
0x8e: {  	v8 =	vld [tilespmem:s31+$0x800]  }
0x8f: {  	v4 =	vld [tilespmem:s31+$0x880]  }
0x90: {  	v22 =	vadd.f32 v6, v5;
	v23 =	vadd.f32 v9, v7;
	v5 =	vld [tilespmem:s31+$0x900]  }
0x91: {  	v10 =	vadd.f32 v11, v10;
	v11 =	vadd.f32 v13, v12;
	v6 =	vld [tilespmem:s31+$0x980]  }
0x92: {  	v12 =	vadd.f32 v15, v14;
	v13 =	vadd.f32 v17, v16;
	v7 =	vld [tilespmem:s31+$0xA00]  }
0x93: {  	v14 =	vadd.f32 v19, v18;
	v15 =	vadd.f32 v21, v20;
	v9 =	vld [tilespmem:s31+$0xA80]  }
0x94: {  	v16 =	vadd.f32 v23, v22;
	v17 =	vadd.f32 v11, v10;
	v10 =	vld [tilespmem:s31+$0xB00]  }
0x95: {  	v13 =	vadd.f32 v13, v12;
	v14 =	vadd.f32 v15, v14;
	v12 =	vld [tilespmem:s31+$0xB80]  }
0x96: {  	v11 =	vld [tilespmem:s31+$0x2800]  }
0x97: {  	v15 =	vadd.f32 v17, v16;
	v16 =	vadd.f32 v14, v13;
	v13 =	vld [tilespmem:s31+$0x2880]  }
0x98: {  	v14 =	vld [tilespmem:s31+$0x2900]  }
0x99: {  	v17 =	vld [tilespmem:s31+$0x2A80];
	v16 =	vadd.f32 v16, v15  }
0x9a: {  	s0 =	simm.s32 $0x10800;
	v15 =	vld [tilespmem:s31+$0x2980]  }
0x9b: {  	[tilespmem:s0+$0x0] =	vst.add.f32.msk $0xffff, v16  }
0x9c: {  	s3 =	simm.s32 $0x100;
	s11 =	simm.s32 $0x20;
	v16 =	vld [tilespmem:s31+$0x2A00]  }
.LBB2_5:
0x9d: {  	s12 =	sand.u32 $0x70, s11;
	s13 =	sand.u32 $0x1C00, s3;
	p0 =	sne.s32 s11, $0x3F0;
	v18 =	vld [tilespmem:s31+$0x2B00]  }
0x9e: {  	v19 =	vld [tilespmem:s31+$0x2B80];
	s31 =	sor.u32 s12, s13  }
0x9f: {  	v20 =	vld [tilespmem:s31+$0x800]  }
0xa0: {  	v8 =	vadd.f32 v4, v8;
	v21 =	vadd.f32 v6, v5;
	v4 =	vld [tilespmem:s31+$0x880]  }
0xa1: {  	v22 =	vadd.f32 v9, v7;
	v10 =	vadd.f32 v12, v10;
	v5 =	vld [tilespmem:s31+$0x900]  }
0xa2: {  	v11 =	vadd.f32 v13, v11;
	v12 =	vadd.f32 v15, v14;
	v6 =	vld [tilespmem:s31+$0x980]  }
0xa3: {  	v13 =	vadd.f32 v17, v16;
	v7 =	vld [tilespmem:s31+$0xA00];
	v14 =	vadd.f32 v19, v18  }
0xa4: {  	v15 =	vadd.f32 v21, v8;
	v16 =	vadd.f32 v10, v22;
	v9 =	vld [tilespmem:s31+$0xA80];
	v8 =	vmov v20  }
0xa5: {  	v17 =	vadd.f32 v12, v11;
	v10 =	vld [tilespmem:s31+$0xB00];
	v13 =	vadd.f32 v14, v13  }
0xa6: {  	v12 =	vld [tilespmem:s31+$0xB80]  }
0xa7: {  	v15 =	vadd.f32 v16, v15;
	v11 =	vld [tilespmem:s31+$0x2800];
	v16 =	vadd.f32 v13, v17  }
0xa8: {  	v13 =	vld [tilespmem:s31+$0x2880]  }
.Ltmp5:
0xa9: {  	v14 =	vld [tilespmem:s31+$0x2900];
	v16 =	vadd.f32 v16, v15;
	(pc) =	sbr.rel @p0 .LBB2_5-.Ltmp5, $4  }
0xaa: {  	s0 =	sadd.s32 $0x10, s0;
	v15 =	vld [tilespmem:s31+$0x2980]  }
0xab: {  	[tilespmem:s0+$0x0] =	vst.add.f32.msk $0xffff, v16  }
0xac: {  	v16 =	vld [tilespmem:s31+$0x2A00]  }
0xad: {  	s3 =	sadd.s32 $0x80, s3;
	s11 =	sadd.s32 $0x10, s11;
	v17 =	vld [tilespmem:s31+$0x2A80]  }
0xae: {  	v18 =	vld [tilespmem:s31+$0x2B00]  }
0xaf: {  	v19 =	vld [tilespmem:s31+$0x2B80];
	_ =	sdelay $0x1  }
0xb0: {  	v4 =	vadd.f32 v4, v8;
	v5 =	vadd.f32 v6, v5  }
0xb1: {  	v6 =	vadd.f32 v9, v7;
	v7 =	vadd.f32 v12, v10  }
0xb2: {  	v8 =	vadd.f32 v13, v11;
	v9 =	vadd.f32 v15, v14  }
0xb3: {  	v10 =	vadd.f32 v17, v16;
	v11 =	vadd.f32 v19, v18  }
0xb4: {  	v4 =	vadd.f32 v5, v4;
	v5 =	vadd.f32 v7, v6  }
0xb5: {  	v6 =	vadd.f32 v9, v8;
	v7 =	vadd.f32 v11, v10;
	_ =	sdelay $0x1  }
0xb6: {  	v4 =	vadd.f32 v5, v4;
	v5 =	vadd.f32 v7, v6;
	_ =	sdelay $0x1  }
0xb7: {  	p0 =	seq.s32 s30, $0x1F;
	v4 =	vadd.f32 v5, v4  }
0xb8: {  	s0 =	sadd.s32 $0x10, s0;
	s3 =	sshll.u32 @!p0 s30, $0x6  }
0xb9: {  	s31 =	sand.u32 @!p0 $0x3FFFFFC0, s3;
	[tilespmem:s0+$0x0] =	vst.add.f32.msk $0xffff, v4  }
0xba: {  	v4 =	vld @!p0 [tilespmem:s31+$0x40];
	_ =	sdelay $0x4  }
0xbb: {  	v5 =	vshll.u32 @!p0 v4, $0x3  }
0xbc: {  	v6 =	vlaneseq.u32 @!p0;
	v4 =	vand.u32 @!p0 $0x7, v4;
	v5 =	vand.u32 @!p0 $0xFFFFFFC0, v5  }
0xbd: {  	v7 =	vshrl.u32 @!p0 v6, $0x3;
	v4 =	vor.u32 @!p0 v4, v5;
	v5 =	vand.u32 @!p0 $0x7, v6  }
0xbe: {  	v7 =	vmul.u32 @!p0 $0x8, v7;
	v5 =	vperm.xlane @!p0 v4, v5;
	_ =	sdelay $0x1  }
0xbf: {  	v5 =	vadd.s32 @!p0 v7, v5;
	_ =	sdelay $0x3  }
0xc0: {  	vm1 =	vmmov @!p0 $0xffff;
	s3 =	simm.s32 @!p0 $0x800;
	s0 =	simm.s32 @!p0 $0x0  }
0xc1: {  	v6 =	vor.u32 @!p0 $0x8, v6;
	[tilespmem:s3], [sflag:$0x1] =	stream.indirect_vreg.gather @!p0 [hbm4b:s1+s0], $0x80, v5, vm1, $0xb8;
	[tilespmem:$0x10C00] =	vst v63  }
0xc2: {  	v4 =	vperm.xlane @!p0 v4, v6;
	s3 =	simm.s32 @!p0 $0x1000  }
0xc3: {  	[tilespmem:s3], [sflag:$0x1] =	stream.indirect_vreg.gather @!p0 [hbm4b:s5+s0], $0x80, v5, vm1, $0xb8;
	[tilespmem:$0x10C00] =	vst v63  }
0xc4: {  	v4 =	vadd.s32 @!p0 v7, v4;
	s3 =	simm.s32 @!p0 $0x1800  }
0xc5: {  	[tilespmem:s3], [sflag:$0x1] =	stream.indirect_vreg.gather @!p0 [hbm4b:s6+s0], $0x80, v5, vm1, $0xb8;
	[tilespmem:$0x10C00] =	vst v63  }
0xc6: {  	s3 =	simm.s32 @!p0 $0x2000  }
0xc7: {  	[tilespmem:s3], [sflag:$0x1] =	stream.indirect_vreg.gather @!p0 [hbm4b:s7+s0], $0x80, v5, vm1, $0xb8;
	[tilespmem:$0x10C00] =	vst v63  }
0xc8: {  	s3 =	simm.s32 @!p0 $0x2800  }
0xc9: {  	[tilespmem:s3], [sflag:$0x1] =	stream.indirect_vreg.gather @!p0 [hbm4b:s1+s0], $0x80, v4, vm1, $0xb8;
	[tilespmem:$0x10C00] =	vst v63  }
0xca: {  	s3 =	simm.s32 @!p0 $0x3000  }
0xcb: {  	[tilespmem:s3], [sflag:$0x1] =	stream.indirect_vreg.gather @!p0 [hbm4b:s5+s0], $0x80, v4, vm1, $0xb8;
	[tilespmem:$0x10C00] =	vst v63  }
0xcc: {  	s3 =	simm.s32 @!p0 $0x3800  }
0xcd: {  	[tilespmem:s3], [sflag:$0x1] =	stream.indirect_vreg.gather @!p0 [hbm4b:s6+s0], $0x80, v4, vm1, $0xb8;
	[tilespmem:$0x10C00] =	vst v63  }
0xce: {  	s3 =	simm.s32 @!p0 $0x4000  }
0xcf: {  	[tilespmem:s3], [sflag:$0x1] =	stream.indirect_vreg.gather @!p0 [hbm4b:s7+s0], $0x80, v4, vm1, $0xb8;
	[tilespmem:$0x10C00] =	vst v63  }
0xd0: {  	s12 =	simm.s32 $0x0;
	_ =	swait.ge [sflag:s21], $0x4000  }
0xd1: {  	s13 =	sand.u32 $0x70, s12;
	s0 =	sand.u32 $0x1C00, s12;
	[sflag:s21] =	ssyncset.done $0x0  }
0xd2: {  	s3 =	sor.u32 s13, s0;
	[sflag:s21] =	ssyncadd.s32 $0xFFFFC000  }
0xd3: {  	v5 =	vld [tilespmem:s3+$0x4800]  }
0xd4: {  	v6 =	vld [tilespmem:s3+$0x4880]  }
0xd5: {  	v7 =	vld [tilespmem:s3+$0x4900]  }
0xd6: {  	v9 =	vld [tilespmem:s3+$0x4980]  }
0xd7: {  	v10 =	vld [tilespmem:s3+$0x4A00]  }
0xd8: {  	v11 =	vld [tilespmem:s3+$0x4A80]  }
0xd9: {  	v12 =	vld [tilespmem:s3+$0x4B00]  }
0xda: {  	v13 =	vld [tilespmem:s3+$0x4B80]  }
0xdb: {  	v14 =	vld [tilespmem:s3+$0x6800]  }
0xdc: {  	v15 =	vld [tilespmem:s3+$0x6880]  }
0xdd: {  	v16 =	vld [tilespmem:s3+$0x6900]  }
0xde: {  	v17 =	vld [tilespmem:s3+$0x6980]  }
0xdf: {  	v18 =	vld [tilespmem:s3+$0x6A00]  }
0xe0: {  	s14 =	simm.s32 $0x80;
	s11 =	simm.s32 $0x10;
	v19 =	vld [tilespmem:s3+$0x6A80]  }
0xe1: {  	s11 =	sand.u32 $0x70, s11;
	s0 =	sand.u32 $0x1C00, s14;
	v20 =	vld [tilespmem:s3+$0x6B00]  }
0xe2: {  	s0 =	sor.u32 s11, s0;
	v21 =	vld [tilespmem:s3+$0x6B80]  }
0xe3: {  	v8 =	vld [tilespmem:s0+$0x4800]  }
0xe4: {  	v4 =	vld [tilespmem:s0+$0x4880]  }
0xe5: {  	v22 =	vadd.f32 v6, v5;
	v23 =	vadd.f32 v9, v7;
	v5 =	vld [tilespmem:s0+$0x4900]  }
0xe6: {  	v10 =	vadd.f32 v11, v10;
	v11 =	vadd.f32 v13, v12;
	v6 =	vld [tilespmem:s0+$0x4980]  }
0xe7: {  	v12 =	vadd.f32 v15, v14;
	v13 =	vadd.f32 v17, v16;
	v7 =	vld [tilespmem:s0+$0x4A00]  }
0xe8: {  	v14 =	vadd.f32 v19, v18;
	v15 =	vadd.f32 v21, v20;
	v9 =	vld [tilespmem:s0+$0x4A80]  }
0xe9: {  	v16 =	vadd.f32 v23, v22;
	v17 =	vadd.f32 v11, v10;
	v10 =	vld [tilespmem:s0+$0x4B00]  }
0xea: {  	v13 =	vadd.f32 v13, v12;
	v14 =	vadd.f32 v15, v14;
	v12 =	vld [tilespmem:s0+$0x4B80]  }
0xeb: {  	v11 =	vld [tilespmem:s0+$0x6800]  }
0xec: {  	v15 =	vadd.f32 v17, v16;
	v16 =	vadd.f32 v14, v13;
	v13 =	vld [tilespmem:s0+$0x6880]  }
0xed: {  	v14 =	vld [tilespmem:s0+$0x6900]  }
0xee: {  	v17 =	vld [tilespmem:s0+$0x6A80];
	v16 =	vadd.f32 v16, v15  }
0xef: {  	s3 =	simm.s32 $0x10800;
	v15 =	vld [tilespmem:s0+$0x6980]  }
0xf0: {  	[tilespmem:s3+$0x0] =	vst.add.f32.msk $0xffff, v16  }
0xf1: {  	s12 =	simm.s32 $0x20;
	s11 =	simm.s32 $0x100;
	v16 =	vld [tilespmem:s0+$0x6A00]  }
.LBB2_7:
0xf2: {  	s13 =	sand.u32 $0x70, s12;
	s14 =	sand.u32 $0x1C00, s11;
	p1 =	sne.s32 s12, $0x3F0;
	v18 =	vld [tilespmem:s0+$0x6B00]  }
0xf3: {  	v19 =	vld [tilespmem:s0+$0x6B80];
	s0 =	sor.u32 s13, s14  }
0xf4: {  	v20 =	vld [tilespmem:s0+$0x4800]  }
0xf5: {  	v8 =	vadd.f32 v4, v8;
	v21 =	vadd.f32 v6, v5;
	v4 =	vld [tilespmem:s0+$0x4880]  }
0xf6: {  	v22 =	vadd.f32 v9, v7;
	v10 =	vadd.f32 v12, v10;
	v5 =	vld [tilespmem:s0+$0x4900]  }
0xf7: {  	v11 =	vadd.f32 v13, v11;
	v12 =	vadd.f32 v15, v14;
	v6 =	vld [tilespmem:s0+$0x4980]  }
0xf8: {  	v13 =	vadd.f32 v17, v16;
	v7 =	vld [tilespmem:s0+$0x4A00];
	v14 =	vadd.f32 v19, v18  }
0xf9: {  	v15 =	vadd.f32 v21, v8;
	v16 =	vadd.f32 v10, v22;
	v9 =	vld [tilespmem:s0+$0x4A80];
	v8 =	vmov v20  }
0xfa: {  	v17 =	vadd.f32 v12, v11;
	v10 =	vld [tilespmem:s0+$0x4B00];
	v13 =	vadd.f32 v14, v13  }
0xfb: {  	v12 =	vld [tilespmem:s0+$0x4B80]  }
0xfc: {  	v15 =	vadd.f32 v16, v15;
	v11 =	vld [tilespmem:s0+$0x6800];
	v16 =	vadd.f32 v13, v17  }
0xfd: {  	v13 =	vld [tilespmem:s0+$0x6880]  }
.Ltmp6:
0xfe: {  	v14 =	vld [tilespmem:s0+$0x6900];
	v16 =	vadd.f32 v16, v15;
	(pc) =	sbr.rel @p1 .LBB2_7-.Ltmp6, $4  }
0xff: {  	s3 =	sadd.s32 $0x10, s3;
	v15 =	vld [tilespmem:s0+$0x6980]  }
0x100: {  	[tilespmem:s3+$0x0] =	vst.add.f32.msk $0xffff, v16  }
0x101: {  	v16 =	vld [tilespmem:s0+$0x6A00]  }
0x102: {  	s11 =	sadd.s32 $0x80, s11;
	s12 =	sadd.s32 $0x10, s12;
	v17 =	vld [tilespmem:s0+$0x6A80]  }
0x103: {  	v18 =	vld [tilespmem:s0+$0x6B00]  }
0x104: {  	v19 =	vld [tilespmem:s0+$0x6B80];
	_ =	sdelay $0x1  }
0x105: {  	v4 =	vadd.f32 v4, v8;
	v5 =	vadd.f32 v6, v5  }
0x106: {  	v6 =	vadd.f32 v9, v7;
	v7 =	vadd.f32 v12, v10  }
0x107: {  	v8 =	vadd.f32 v13, v11;
	v9 =	vadd.f32 v15, v14  }
0x108: {  	v10 =	vadd.f32 v17, v16;
	v11 =	vadd.f32 v19, v18  }
0x109: {  	v4 =	vadd.f32 v5, v4;
	v5 =	vadd.f32 v7, v6  }
0x10a: {  	v6 =	vadd.f32 v9, v8;
	v7 =	vadd.f32 v11, v10;
	_ =	sdelay $0x1  }
0x10b: {  	v4 =	vadd.f32 v5, v4;
	v5 =	vadd.f32 v7, v6;
	_ =	sdelay $0x1  }
0x10c: {  	v4 =	vadd.f32 v5, v4  }
0x10d: {  	s11 =	sadd.s32 $0x10, s3  }
0x10e: {  	[tilespmem:s11+$0x0] =	vst.add.f32.msk $0xffff, v4  }
0x10f: {  	v4 =	vld @!p0 [tilespmem:s31+$0x50];
	_ =	sdelay $0x4  }
0x110: {  	v5 =	vshll.u32 @!p0 v4, $0x3  }
0x111: {  	v6 =	vlaneseq.u32 @!p0;
	v4 =	vand.u32 @!p0 $0x7, v4;
	v5 =	vand.u32 @!p0 $0xFFFFFFC0, v5  }
0x112: {  	v7 =	vshrl.u32 @!p0 v6, $0x3;
	v4 =	vor.u32 @!p0 v4, v5;
	v5 =	vand.u32 @!p0 $0x7, v6  }
0x113: {  	v7 =	vmul.u32 @!p0 $0x8, v7;
	v5 =	vperm.xlane @!p0 v4, v5;
	_ =	sdelay $0x1  }
0x114: {  	v5 =	vadd.s32 @!p0 v7, v5;
	_ =	sdelay $0x3  }
0x115: {  	s0 =	simm.s32 @!p0 $0x0;
	s3 =	simm.s32 @!p0 $0x4800  }
0x116: {  	v6 =	vor.u32 @!p0 $0x8, v6;
	[tilespmem:s3], [sflag:$0x2] =	stream.indirect_vreg.gather @!p0 [hbm4b:s1+s0], $0x80, v5, vm1, $0xb8;
	[tilespmem:$0x10C00] =	vst v63  }
0x117: {  	v4 =	vperm.xlane @!p0 v4, v6;
	s3 =	simm.s32 @!p0 $0x5000  }
0x118: {  	[tilespmem:s3], [sflag:$0x2] =	stream.indirect_vreg.gather @!p0 [hbm4b:s5+s0], $0x80, v5, vm1, $0xb8;
	[tilespmem:$0x10C00] =	vst v63  }
0x119: {  	v4 =	vadd.s32 @!p0 v7, v4;
	s3 =	simm.s32 @!p0 $0x5800  }
0x11a: {  	[tilespmem:s3], [sflag:$0x2] =	stream.indirect_vreg.gather @!p0 [hbm4b:s6+s0], $0x80, v5, vm1, $0xb8;
	[tilespmem:$0x10C00] =	vst v63  }
0x11b: {  	s3 =	simm.s32 @!p0 $0x6000  }
0x11c: {  	[tilespmem:s3], [sflag:$0x2] =	stream.indirect_vreg.gather @!p0 [hbm4b:s7+s0], $0x80, v5, vm1, $0xb8;
	[tilespmem:$0x10C00] =	vst v63  }
0x11d: {  	s3 =	simm.s32 @!p0 $0x6800  }
0x11e: {  	[tilespmem:s3], [sflag:$0x2] =	stream.indirect_vreg.gather @!p0 [hbm4b:s1+s0], $0x80, v4, vm1, $0xb8;
	[tilespmem:$0x10C00] =	vst v63  }
0x11f: {  	s3 =	simm.s32 @!p0 $0x7000  }
0x120: {  	[tilespmem:s3], [sflag:$0x2] =	stream.indirect_vreg.gather @!p0 [hbm4b:s5+s0], $0x80, v4, vm1, $0xb8;
	[tilespmem:$0x10C00] =	vst v63  }
0x121: {  	s3 =	simm.s32 @!p0 $0x7800  }
0x122: {  	[tilespmem:s3], [sflag:$0x2] =	stream.indirect_vreg.gather @!p0 [hbm4b:s6+s0], $0x80, v4, vm1, $0xb8;
	[tilespmem:$0x10C00] =	vst v63  }
0x123: {  	s3 =	simm.s32 @!p0 $0x8000  }
0x124: {  	[tilespmem:s3], [sflag:$0x2] =	stream.indirect_vreg.gather @!p0 [hbm4b:s7+s0], $0x80, v4, vm1, $0xb8;
	[tilespmem:$0x10C00] =	vst v63  }
0x125: {  	s12 =	simm.s32 $0x0;
	_ =	swait.ge [sflag:s22], $0x4000  }
0x126: {  	s13 =	sand.u32 $0x70, s12;
	s0 =	sand.u32 $0x1C00, s12;
	[sflag:s22] =	ssyncset.done $0x0  }
0x127: {  	s3 =	sor.u32 s13, s0;
	[sflag:s22] =	ssyncadd.s32 $0xFFFFC000  }
0x128: {  	v5 =	vld [tilespmem:s3+$0x8800]  }
0x129: {  	v6 =	vld [tilespmem:s3+$0x8880]  }
0x12a: {  	v7 =	vld [tilespmem:s3+$0x8900]  }
0x12b: {  	v9 =	vld [tilespmem:s3+$0x8980]  }
0x12c: {  	v10 =	vld [tilespmem:s3+$0x8A00]  }
0x12d: {  	v11 =	vld [tilespmem:s3+$0x8A80]  }
0x12e: {  	v12 =	vld [tilespmem:s3+$0x8B00]  }
0x12f: {  	v13 =	vld [tilespmem:s3+$0x8B80]  }
0x130: {  	v14 =	vld [tilespmem:s3+$0xA800]  }
0x131: {  	v15 =	vld [tilespmem:s3+$0xA880]  }
0x132: {  	v16 =	vld [tilespmem:s3+$0xA900]  }
0x133: {  	v17 =	vld [tilespmem:s3+$0xA980]  }
0x134: {  	v18 =	vld [tilespmem:s3+$0xAA00]  }
0x135: {  	s14 =	simm.s32 $0x80;
	s11 =	simm.s32 $0x10;
	v19 =	vld [tilespmem:s3+$0xAA80]  }
0x136: {  	s11 =	sand.u32 $0x70, s11;
	s0 =	sand.u32 $0x1C00, s14;
	v20 =	vld [tilespmem:s3+$0xAB00]  }
0x137: {  	s0 =	sor.u32 s11, s0;
	v21 =	vld [tilespmem:s3+$0xAB80]  }
0x138: {  	v8 =	vld [tilespmem:s0+$0x8800]  }
0x139: {  	v4 =	vld [tilespmem:s0+$0x8880]  }
0x13a: {  	v22 =	vadd.f32 v6, v5;
	v23 =	vadd.f32 v9, v7;
	v5 =	vld [tilespmem:s0+$0x8900]  }
0x13b: {  	v10 =	vadd.f32 v11, v10;
	v11 =	vadd.f32 v13, v12;
	v6 =	vld [tilespmem:s0+$0x8980]  }
0x13c: {  	v12 =	vadd.f32 v15, v14;
	v13 =	vadd.f32 v17, v16;
	v7 =	vld [tilespmem:s0+$0x8A00]  }
0x13d: {  	v14 =	vadd.f32 v19, v18;
	v15 =	vadd.f32 v21, v20;
	v9 =	vld [tilespmem:s0+$0x8A80]  }
0x13e: {  	v16 =	vadd.f32 v23, v22;
	v17 =	vadd.f32 v11, v10;
	v10 =	vld [tilespmem:s0+$0x8B00]  }
0x13f: {  	v13 =	vadd.f32 v13, v12;
	v14 =	vadd.f32 v15, v14;
	v12 =	vld [tilespmem:s0+$0x8B80]  }
0x140: {  	v11 =	vld [tilespmem:s0+$0xA800]  }
0x141: {  	v15 =	vadd.f32 v17, v16;
	v16 =	vadd.f32 v14, v13;
	v13 =	vld [tilespmem:s0+$0xA880]  }
0x142: {  	v14 =	vld [tilespmem:s0+$0xA900]  }
0x143: {  	v17 =	vld [tilespmem:s0+$0xAA80];
	v16 =	vadd.f32 v16, v15  }
0x144: {  	s3 =	simm.s32 $0x10800;
	v15 =	vld [tilespmem:s0+$0xA980]  }
0x145: {  	[tilespmem:s3+$0x0] =	vst.add.f32.msk $0xffff, v16  }
0x146: {  	s12 =	simm.s32 $0x20;
	s11 =	simm.s32 $0x100;
	v16 =	vld [tilespmem:s0+$0xAA00]  }
.LBB2_9:
0x147: {  	s13 =	sand.u32 $0x70, s12;
	s14 =	sand.u32 $0x1C00, s11;
	p1 =	sne.s32 s12, $0x3F0;
	v18 =	vld [tilespmem:s0+$0xAB00]  }
0x148: {  	v19 =	vld [tilespmem:s0+$0xAB80];
	s0 =	sor.u32 s13, s14  }
0x149: {  	v20 =	vld [tilespmem:s0+$0x8800]  }
0x14a: {  	v8 =	vadd.f32 v4, v8;
	v21 =	vadd.f32 v6, v5;
	v4 =	vld [tilespmem:s0+$0x8880]  }
0x14b: {  	v22 =	vadd.f32 v9, v7;
	v10 =	vadd.f32 v12, v10;
	v5 =	vld [tilespmem:s0+$0x8900]  }
0x14c: {  	v11 =	vadd.f32 v13, v11;
	v12 =	vadd.f32 v15, v14;
	v6 =	vld [tilespmem:s0+$0x8980]  }
0x14d: {  	v13 =	vadd.f32 v17, v16;
	v7 =	vld [tilespmem:s0+$0x8A00];
	v14 =	vadd.f32 v19, v18  }
0x14e: {  	v15 =	vadd.f32 v21, v8;
	v16 =	vadd.f32 v10, v22;
	v9 =	vld [tilespmem:s0+$0x8A80];
	v8 =	vmov v20  }
0x14f: {  	v17 =	vadd.f32 v12, v11;
	v10 =	vld [tilespmem:s0+$0x8B00];
	v13 =	vadd.f32 v14, v13  }
0x150: {  	v12 =	vld [tilespmem:s0+$0x8B80]  }
0x151: {  	v15 =	vadd.f32 v16, v15;
	v11 =	vld [tilespmem:s0+$0xA800];
	v16 =	vadd.f32 v13, v17  }
0x152: {  	v13 =	vld [tilespmem:s0+$0xA880]  }
.Ltmp7:
0x153: {  	v14 =	vld [tilespmem:s0+$0xA900];
	v16 =	vadd.f32 v16, v15;
	(pc) =	sbr.rel @p1 .LBB2_9-.Ltmp7, $4  }
0x154: {  	s3 =	sadd.s32 $0x10, s3;
	v15 =	vld [tilespmem:s0+$0xA980]  }
0x155: {  	[tilespmem:s3+$0x0] =	vst.add.f32.msk $0xffff, v16  }
0x156: {  	v16 =	vld [tilespmem:s0+$0xAA00]  }
0x157: {  	s11 =	sadd.s32 $0x80, s11;
	s12 =	sadd.s32 $0x10, s12;
	v17 =	vld [tilespmem:s0+$0xAA80]  }
0x158: {  	v18 =	vld [tilespmem:s0+$0xAB00]  }
0x159: {  	v19 =	vld [tilespmem:s0+$0xAB80];
	_ =	sdelay $0x1  }
0x15a: {  	v4 =	vadd.f32 v4, v8;
	v5 =	vadd.f32 v6, v5  }
0x15b: {  	v6 =	vadd.f32 v9, v7;
	v7 =	vadd.f32 v12, v10  }
0x15c: {  	v8 =	vadd.f32 v13, v11;
	v9 =	vadd.f32 v15, v14  }
0x15d: {  	v10 =	vadd.f32 v17, v16;
	v11 =	vadd.f32 v19, v18  }
0x15e: {  	v4 =	vadd.f32 v5, v4;
	v5 =	vadd.f32 v7, v6  }
0x15f: {  	v6 =	vadd.f32 v9, v8;
	v7 =	vadd.f32 v11, v10;
	_ =	sdelay $0x1  }
0x160: {  	v4 =	vadd.f32 v5, v4;
	v5 =	vadd.f32 v7, v6;
	_ =	sdelay $0x1  }
0x161: {  	v4 =	vadd.f32 v5, v4  }
0x162: {  	s11 =	sadd.s32 $0x10, s3  }
0x163: {  	[tilespmem:s11+$0x0] =	vst.add.f32.msk $0xffff, v4  }
0x164: {  	v4 =	vld @!p0 [tilespmem:s31+$0x60];
	_ =	sdelay $0x4  }
0x165: {  	v5 =	vshll.u32 @!p0 v4, $0x3  }
0x166: {  	v6 =	vlaneseq.u32 @!p0;
	v4 =	vand.u32 @!p0 $0x7, v4;
	v5 =	vand.u32 @!p0 $0xFFFFFFC0, v5  }
0x167: {  	v7 =	vshrl.u32 @!p0 v6, $0x3;
	v4 =	vor.u32 @!p0 v4, v5;
	v5 =	vand.u32 @!p0 $0x7, v6  }
0x168: {  	v7 =	vmul.u32 @!p0 $0x8, v7;
	v5 =	vperm.xlane @!p0 v4, v5;
	_ =	sdelay $0x1  }
0x169: {  	v5 =	vadd.s32 @!p0 v7, v5;
	_ =	sdelay $0x3  }
0x16a: {  	s0 =	simm.s32 @!p0 $0x0;
	s3 =	simm.s32 @!p0 $0x8800  }
0x16b: {  	v6 =	vor.u32 @!p0 $0x8, v6;
	[tilespmem:s3], [sflag:$0x3] =	stream.indirect_vreg.gather @!p0 [hbm4b:s1+s0], $0x80, v5, vm1, $0xb8;
	[tilespmem:$0x10C00] =	vst v63  }
0x16c: {  	v4 =	vperm.xlane @!p0 v4, v6;
	s3 =	simm.s32 @!p0 $0x9000  }
0x16d: {  	[tilespmem:s3], [sflag:$0x3] =	stream.indirect_vreg.gather @!p0 [hbm4b:s5+s0], $0x80, v5, vm1, $0xb8;
	[tilespmem:$0x10C00] =	vst v63  }
0x16e: {  	v4 =	vadd.s32 @!p0 v7, v4;
	s3 =	simm.s32 @!p0 $0x9800  }
0x16f: {  	[tilespmem:s3], [sflag:$0x3] =	stream.indirect_vreg.gather @!p0 [hbm4b:s6+s0], $0x80, v5, vm1, $0xb8;
	[tilespmem:$0x10C00] =	vst v63  }
0x170: {  	s3 =	simm.s32 @!p0 $0xA000  }
0x171: {  	[tilespmem:s3], [sflag:$0x3] =	stream.indirect_vreg.gather @!p0 [hbm4b:s7+s0], $0x80, v5, vm1, $0xb8;
	[tilespmem:$0x10C00] =	vst v63  }
0x172: {  	s3 =	simm.s32 @!p0 $0xA800  }
0x173: {  	[tilespmem:s3], [sflag:$0x3] =	stream.indirect_vreg.gather @!p0 [hbm4b:s1+s0], $0x80, v4, vm1, $0xb8;
	[tilespmem:$0x10C00] =	vst v63  }
0x174: {  	s3 =	simm.s32 @!p0 $0xB000  }
0x175: {  	[tilespmem:s3], [sflag:$0x3] =	stream.indirect_vreg.gather @!p0 [hbm4b:s5+s0], $0x80, v4, vm1, $0xb8;
	[tilespmem:$0x10C00] =	vst v63  }
0x176: {  	s3 =	simm.s32 @!p0 $0xB800  }
0x177: {  	[tilespmem:s3], [sflag:$0x3] =	stream.indirect_vreg.gather @!p0 [hbm4b:s6+s0], $0x80, v4, vm1, $0xb8;
	[tilespmem:$0x10C00] =	vst v63  }
0x178: {  	s3 =	simm.s32 @!p0 $0xC000  }
0x179: {  	[tilespmem:s3], [sflag:$0x3] =	stream.indirect_vreg.gather @!p0 [hbm4b:s7+s0], $0x80, v4, vm1, $0xb8;
	[tilespmem:$0x10C00] =	vst v63  }
0x17a: {  	s12 =	simm.s32 $0x0;
	_ =	swait.ge [sflag:s23], $0x4000  }
0x17b: {  	s13 =	sand.u32 $0x70, s12;
	s0 =	sand.u32 $0x1C00, s12;
	[sflag:s23] =	ssyncset.done $0x0  }
0x17c: {  	s3 =	sor.u32 s13, s0;
	[sflag:s23] =	ssyncadd.s32 $0xFFFFC000  }
0x17d: {  	v5 =	vld [tilespmem:s3+$0xC800]  }
0x17e: {  	v6 =	vld [tilespmem:s3+$0xC880]  }
0x17f: {  	v7 =	vld [tilespmem:s3+$0xC900]  }
0x180: {  	v9 =	vld [tilespmem:s3+$0xC980]  }
0x181: {  	v10 =	vld [tilespmem:s3+$0xCA00]  }
0x182: {  	v11 =	vld [tilespmem:s3+$0xCA80]  }
0x183: {  	v12 =	vld [tilespmem:s3+$0xCB00]  }
0x184: {  	v13 =	vld [tilespmem:s3+$0xCB80]  }
0x185: {  	v14 =	vld [tilespmem:s3+$0xE800]  }
0x186: {  	v15 =	vld [tilespmem:s3+$0xE880]  }
0x187: {  	v16 =	vld [tilespmem:s3+$0xE900]  }
0x188: {  	v17 =	vld [tilespmem:s3+$0xE980]  }
0x189: {  	v18 =	vld [tilespmem:s3+$0xEA00]  }
0x18a: {  	s14 =	simm.s32 $0x80;
	s11 =	simm.s32 $0x10;
	v19 =	vld [tilespmem:s3+$0xEA80]  }
0x18b: {  	s11 =	sand.u32 $0x70, s11;
	s0 =	sand.u32 $0x1C00, s14;
	v20 =	vld [tilespmem:s3+$0xEB00]  }
0x18c: {  	s0 =	sor.u32 s11, s0;
	v21 =	vld [tilespmem:s3+$0xEB80]  }
0x18d: {  	v8 =	vld [tilespmem:s0+$0xC800]  }
0x18e: {  	v4 =	vld [tilespmem:s0+$0xC880]  }
0x18f: {  	v22 =	vadd.f32 v6, v5;
	v23 =	vadd.f32 v9, v7;
	v5 =	vld [tilespmem:s0+$0xC900]  }
0x190: {  	v10 =	vadd.f32 v11, v10;
	v11 =	vadd.f32 v13, v12;
	v6 =	vld [tilespmem:s0+$0xC980]  }
0x191: {  	v12 =	vadd.f32 v15, v14;
	v13 =	vadd.f32 v17, v16;
	v7 =	vld [tilespmem:s0+$0xCA00]  }
0x192: {  	v14 =	vadd.f32 v19, v18;
	v15 =	vadd.f32 v21, v20;
	v9 =	vld [tilespmem:s0+$0xCA80]  }
0x193: {  	v16 =	vadd.f32 v23, v22;
	v17 =	vadd.f32 v11, v10;
	v10 =	vld [tilespmem:s0+$0xCB00]  }
0x194: {  	v13 =	vadd.f32 v13, v12;
	v14 =	vadd.f32 v15, v14;
	v12 =	vld [tilespmem:s0+$0xCB80]  }
0x195: {  	v11 =	vld [tilespmem:s0+$0xE800]  }
0x196: {  	v15 =	vadd.f32 v17, v16;
	v16 =	vadd.f32 v14, v13;
	v13 =	vld [tilespmem:s0+$0xE880]  }
0x197: {  	v14 =	vld [tilespmem:s0+$0xE900]  }
0x198: {  	v17 =	vld [tilespmem:s0+$0xEA80];
	v16 =	vadd.f32 v16, v15  }
0x199: {  	s3 =	simm.s32 $0x10800;
	v15 =	vld [tilespmem:s0+$0xE980]  }
0x19a: {  	[tilespmem:s3+$0x0] =	vst.add.f32.msk $0xffff, v16  }
0x19b: {  	s12 =	simm.s32 $0x20;
	s11 =	simm.s32 $0x100;
	v16 =	vld [tilespmem:s0+$0xEA00]  }
.LBB2_11:
0x19c: {  	s13 =	sand.u32 $0x70, s12;
	s14 =	sand.u32 $0x1C00, s11;
	p1 =	sne.s32 s12, $0x3F0;
	v18 =	vld [tilespmem:s0+$0xEB00]  }
0x19d: {  	v19 =	vld [tilespmem:s0+$0xEB80];
	s0 =	sor.u32 s13, s14  }
0x19e: {  	v20 =	vld [tilespmem:s0+$0xC800]  }
0x19f: {  	v8 =	vadd.f32 v4, v8;
	v21 =	vadd.f32 v6, v5;
	v4 =	vld [tilespmem:s0+$0xC880]  }
0x1a0: {  	v22 =	vadd.f32 v9, v7;
	v10 =	vadd.f32 v12, v10;
	v5 =	vld [tilespmem:s0+$0xC900]  }
0x1a1: {  	v11 =	vadd.f32 v13, v11;
	v12 =	vadd.f32 v15, v14;
	v6 =	vld [tilespmem:s0+$0xC980]  }
0x1a2: {  	v13 =	vadd.f32 v17, v16;
	v7 =	vld [tilespmem:s0+$0xCA00];
	v14 =	vadd.f32 v19, v18  }
0x1a3: {  	v15 =	vadd.f32 v21, v8;
	v16 =	vadd.f32 v10, v22;
	v9 =	vld [tilespmem:s0+$0xCA80];
	v8 =	vmov v20  }
0x1a4: {  	v17 =	vadd.f32 v12, v11;
	v10 =	vld [tilespmem:s0+$0xCB00];
	v13 =	vadd.f32 v14, v13  }
0x1a5: {  	v12 =	vld [tilespmem:s0+$0xCB80]  }
0x1a6: {  	v15 =	vadd.f32 v16, v15;
	v11 =	vld [tilespmem:s0+$0xE800];
	v16 =	vadd.f32 v13, v17  }
0x1a7: {  	v13 =	vld [tilespmem:s0+$0xE880]  }
.Ltmp8:
0x1a8: {  	v14 =	vld [tilespmem:s0+$0xE900];
	v16 =	vadd.f32 v16, v15;
	(pc) =	sbr.rel @p1 .LBB2_11-.Ltmp8, $4  }
0x1a9: {  	s3 =	sadd.s32 $0x10, s3;
	v15 =	vld [tilespmem:s0+$0xE980]  }
0x1aa: {  	[tilespmem:s3+$0x0] =	vst.add.f32.msk $0xffff, v16  }
0x1ab: {  	v16 =	vld [tilespmem:s0+$0xEA00]  }
0x1ac: {  	s11 =	sadd.s32 $0x80, s11;
	s12 =	sadd.s32 $0x10, s12;
	v17 =	vld [tilespmem:s0+$0xEA80]  }
0x1ad: {  	v18 =	vld [tilespmem:s0+$0xEB00]  }
0x1ae: {  	v19 =	vld [tilespmem:s0+$0xEB80];
	_ =	sdelay $0x1  }
0x1af: {  	v4 =	vadd.f32 v4, v8;
	v5 =	vadd.f32 v6, v5  }
0x1b0: {  	v56 =	vadd.f32 v9, v7;
	v57 =	vadd.f32 v12, v10  }
0x1b1: {  	v58 =	vadd.f32 v13, v11;
	v59 =	vadd.f32 v15, v14  }
0x1b2: {  	v60 =	vadd.f32 v17, v16;
	v61 =	vadd.f32 v19, v18  }
0x1b3: {  	v4 =	vadd.f32 v5, v4;
	v5 =	vadd.f32 v57, v56  }
0x1b4: {  	v62 =	vadd.f32 v59, v58;
	v63 =	vadd.f32 v61, v60;
	_ =	sdelay $0x1  }
0x1b5: {  	v4 =	vadd.f32 v5, v4;
	v5 =	vadd.f32 v63, v62;
	_ =	sdelay $0x1  }
0x1b6: {  	v4 =	vadd.f32 v5, v4  }
0x1b7: {  	s14 =	sadd.s32 $0x10, s3  }
0x1b8: {  	[tilespmem:s14+$0x0] =	vst.add.f32.msk $0xffff, v4  }
0x1b9: {  	v4 =	vld @!p0 [tilespmem:s31+$0x70];
	_ =	sdelay $0x4  }
0x1ba: {  	v5 =	vshll.u32 @!p0 v4, $0x3  }
0x1bb: {  	v6 =	vlaneseq.u32 @!p0;
	v4 =	vand.u32 @!p0 $0x7, v4;
	v5 =	vand.u32 @!p0 $0xFFFFFFC0, v5  }
0x1bc: {  	v7 =	vshrl.u32 @!p0 v6, $0x3;
	v4 =	vor.u32 @!p0 v4, v5;
	v5 =	vand.u32 @!p0 $0x7, v6  }
0x1bd: {  	v7 =	vmul.u32 @!p0 $0x8, v7;
	v5 =	vperm.xlane @!p0 v4, v5;
	_ =	sdelay $0x1  }
0x1be: {  	v5 =	vadd.s32 @!p0 v7, v5;
	_ =	sdelay $0x3  }
0x1bf: {  	s0 =	simm.s32 @!p0 $0x0;
	s3 =	simm.s32 @!p0 $0xC800  }
0x1c0: {  	v6 =	vor.u32 @!p0 $0x8, v6;
	[tilespmem:s3], [sflag:$0x4] =	stream.indirect_vreg.gather @!p0 [hbm4b:s1+s0], $0x80, v5, vm1, $0xb8;
	[tilespmem:$0x10C00] =	vst v63  }
0x1c1: {  	v4 =	vperm.xlane @!p0 v4, v6;
	s3 =	simm.s32 @!p0 $0xD000  }
0x1c2: {  	[tilespmem:s3], [sflag:$0x4] =	stream.indirect_vreg.gather @!p0 [hbm4b:s5+s0], $0x80, v5, vm1, $0xb8;
	[tilespmem:$0x10C00] =	vst v63  }
0x1c3: {  	v4 =	vadd.s32 @!p0 v7, v4;
	s3 =	simm.s32 @!p0 $0xD800  }
0x1c4: {  	[tilespmem:s3], [sflag:$0x4] =	stream.indirect_vreg.gather @!p0 [hbm4b:s6+s0], $0x80, v5, vm1, $0xb8;
	[tilespmem:$0x10C00] =	vst v63  }
0x1c5: {  	s3 =	simm.s32 @!p0 $0xE000  }
0x1c6: {  	[tilespmem:s3], [sflag:$0x4] =	stream.indirect_vreg.gather @!p0 [hbm4b:s7+s0], $0x80, v5, vm1, $0xb8;
	[tilespmem:$0x10C00] =	vst v63  }
0x1c7: {  	s3 =	simm.s32 @!p0 $0xE800  }
0x1c8: {  	[tilespmem:s3], [sflag:$0x4] =	stream.indirect_vreg.gather @!p0 [hbm4b:s1+s0], $0x80, v4, vm1, $0xb8;
	[tilespmem:$0x10C00] =	vst v63  }
0x1c9: {  	s3 =	simm.s32 @!p0 $0xF000  }
0x1ca: {  	[tilespmem:s3], [sflag:$0x4] =	stream.indirect_vreg.gather @!p0 [hbm4b:s5+s0], $0x80, v4, vm1, $0xb8;
	[tilespmem:$0x10C00] =	vst v63  }
0x1cb: {  	s3 =	simm.s32 @!p0 $0xF800  }
0x1cc: {  	[tilespmem:s3], [sflag:$0x4] =	stream.indirect_vreg.gather @!p0 [hbm4b:s6+s0], $0x80, v4, vm1, $0xb8;
	[tilespmem:$0x10C00] =	vst v63  }
0x1cd: {  	s3 =	simm.s32 @!p0 $0x10000  }
0x1ce: {  	[tilespmem:s3], [sflag:$0x4] =	stream.indirect_vreg.gather @!p0 [hbm4b:s7+s0], $0x80, v4, vm1, $0xb8;
	[tilespmem:$0x10C00] =	vst v63  }
0x1cf: {  	s0 =	sand.u32 @!p0 $0x7, s30  }
0x1d0: {  	p1 =	sne.s32 @!p0 s0, $0x7  }
0x1d1: {  	p0 =	por p0, !p1  }
.Ltmp9:
0x1d2: {  	_ = 	snop;
	(pc) =	sbr.rel @!p0 .LBB2_16-.Ltmp9, $1  }
0x1d3: {  	_ =	sdelay $0x3  }
0x1d4: {  	s0 =	sshll.u32 s30, $0x1  }
0x1d5: {  	s0 =	sand.u32 $0x30, s0  }
0x1d6: {  	s0 =	sadd.s32 s0, s8  }
0x1d7: {  	[hbm4b:s0+s24] =	stream.strided.scatter [tilespmem:s26], [sflag:$0x5], $0x400, s25, s24, $0x38;
	[tilespmem:$0x10C00] =	vst v63  }
0x1d8: {  	_ =	swait.ge [sflag:s10], $0x400  }
0x1d9: {  	[sflag:s10] =	ssyncset.done $0x0  }
0x1da: {  	s3 =	simm.s32 $0x0;
	s0 =	simm.s32 $0x40;
	[sflag:s10] =	ssyncadd.s32 $0xFFFFFC00  }
.LBB2_14:
0x1db: {  	p0 =	sne.s32 s0, $0xFC0;
	[tilespmem:s3+$0x10800] =	vst v0;
	s3 =	smov.u32 s0;
	s0 =	sadd.s32 $0x40, s0  }
.Ltmp10:
0x1dc: {  	(pc) =	sbr.rel @p0 .LBB2_14-.Ltmp10, $2  }
0x1dd: {  	_ =	sdelay $0x2  }
0x1de: {  	s3 =	sshra.s32 s3, $0x2  }
.Ltmp11:
0x1df: {  	(pc) =	sbr.rel .LBB2_16-.Ltmp11, $2  }
0x1e0: {  	_ =	sdelay $0x2  }
0x1e1: {  	[tilespmem:s3+$0x10800] =	vst v0  }
.LBB2_18:
0x1e2: {  	_ =	sfence.sel $0x180000  }
0x1e3: {  	[bflag:$0x0] =	sbarrier.arrive $0xFFFF  }
0x1e4: {  	_ =	strace $0x90000047  }
0x1e5: {  	s0 =	stileid.u32;
	[bflag:$0x2] =	sbarrier.arrive $0xFFFF  }
0x1e6: {  	p0 =	sne.s32 s0, $0x0;
	s0 =	rddreg [dreg:$0x2]  }
0x1e7: {  	s0 =	sadd.s32 @!p0 $0x100000, s0  }
0x1e8: {  	[sflag:s0] =	ssyncadd.tile.s32 @!p0 $0x1;
	_ =	shalt  }
.Lfunc_end2:
_tile_overlayer_lowered:
.L_overlay_start_2:
0x1e9: {  	(tag) =	ssettag $0x2  }
0x1ea: {  	s0 =	rddreg [dreg:$0x0];
	s2 =	stileid.u32  }
0x1eb: {  	s1 =	rddreg [dreg:$0x1];
	p0 =	sne.s32 s2, $0x0  }
0x1ec: {  	s3 =	rddreg [dreg:$0x2];
	[bflag:$0x3] =	sbarrier.arrive $0xFFFF;
	s2 =	simm.s32 @!p0 $0x1C05  }
0x1ed: {  	[timem:s3], [sflag:s2] =	dma.local @!p0 [hbm:s0], s1  }
0x1ee: {  	s0 =	simm.s32 @!p0 $0x5  }
0x1ef: {  	_ =	swait.ge @!p0 [sflag:s0], s1  }
0x1f0: {  	s1 =	ssub.s32 @!p0 $0x0, s1;
	[sflag:s0] =	ssyncset.done @!p0 $0x0  }
0x1f1: {  	[sflag:s0] =	ssyncadd.s32 @!p0 s1  }
0x1f2: {  	[bflag:$0x3] =	sbarrier.arrive $0xFFFF  }
0x1f3: {  	_ =	shalt  }

</sc_bundles>
